<compile_context>
chip_gen: v7x
topology: tpu7x:2x2x1
jax: 0.10.2.dev20260603
libtpu: 0.0.44.dev20260713+nightly
codegen_flags: <defaults>
</compile_context>

<pallas_src>
import functools
import math

import jax
import jax.numpy as jnp
from jax import lax
from jax.experimental import pallas as pl
from jax.experimental.pallas import tpu as pltpu
from jax.experimental.pallas import tpu_sc as plsc

D_MODEL = 64
SCALE = math.sqrt(D_MODEL)

_info = plsc.get_sparse_core_info()
NC = _info.num_cores
NS = _info.num_subcores
NW = NC * NS
L = _info.num_lanes

ROWS = 4096
SEQ = 200
BB = ROWS // NW
DB = D_MODEL // 8
SB = SEQ // 8
NG = 4
NT = 2
NSUP = SEQ // NG


def _body(x4_ref, table_ref, out_ref, idx_v, gbuf, tbuf, gsem, osem):
    wid = lax.axis_index("s") * NC + lax.axis_index("c")
    pltpu.sync_copy(x4_ref.at[:, wid], idx_v)

    def gather(s, g):
        return pltpu.make_async_copy(
            table_ref.at[idx_v.at[s // 8, s % 8]], gbuf.at[g], gsem.at[g]
        )

    def store(s, t):
        return pltpu.make_async_copy(
            tbuf.at[t], out_ref.at[s, :, wid], osem.at[t]
        )

    for g in range(NG):
        gather(g, g).start()

    iota = lax.iota(jnp.int32, L)

    def super_it(sup, carry):
        for k in range(NG):
            s = sup * NG + k
            t = k % NT
            gather(s, k).wait()

            def wait_store():
                store(s, t).wait()

            if k >= NT:
                wait_store()
            else:
                pl.when(sup > 0)(wait_store)

            @plsc.parallel_loop(0, D_MODEL * (BB // L), unroll=8)
            def _(n):
                d = n >> 3
                b0 = (n & 7) * L
                rowv = b0 + iota
                colv = (d + iota) & (D_MODEL - 1)
                v = plsc.load_gather(gbuf.at[k], [rowv, colv])
                plsc.store_scatter(
                    tbuf.at[t],
                    [colv >> 3, colv & 7, rowv],
                    v * SCALE,
                )

            store(s, t).start()

            @pl.when(sup < NSUP - 1)
            def _():
                gather(s + NG, k).start()

        return carry

    lax.fori_loop(0, NSUP, super_it, 0)

    for t in range(NT):
        store(SEQ - NT + t, t).wait()


@functools.partial(
    pl.kernel,
    mesh=plsc.VectorSubcoreMesh(core_axis_name="c", subcore_axis_name="s"),
    out_type=jax.ShapeDtypeStruct((SEQ, DB, NW, 8, BB), jnp.float32),
    scratch_types=[
        pltpu.VMEM((SB, 8, BB), jnp.int32),
        pltpu.VMEM((NG, BB, D_MODEL), jnp.float32),
        pltpu.VMEM((NT, DB, 8, BB), jnp.float32),
        pltpu.SemaphoreType.DMA((NG,)),
        pltpu.SemaphoreType.DMA((NT,)),
    ],
    compiler_params=pltpu.CompilerParams(
        use_tc_tiling_on_sc=False, needs_layout_passes=False
    ),
)
def _emb_lookup(x4_ref, table_ref, out_ref, idx_v, gbuf, tbuf, gsem, osem):
    _body(x4_ref, table_ref, out_ref, idx_v, gbuf, tbuf, gsem, osem)


def kernel(x, table):
    x4 = jnp.transpose(
        jnp.reshape(jnp.transpose(x.astype(jnp.int32)), (SB, 8, NW, BB)),
        (0, 2, 1, 3),
    )
    out5 = _emb_lookup(x4, table)
    return jnp.transpose(out5, (2, 4, 0, 1, 3)).reshape(ROWS, SEQ, D_MODEL)

# --- scband reference (transcript-rebuilt; emitter-appended) ---
"""Pipeline reference for scband-input-embeddings-75917841924651 (READ-ONLY COPY).

The authoritative reference and input builder live on the scoring server;
editing this copy changes nothing except your own understanding.
"""

import math
import jax, jax.numpy as jnp
import numpy as np

D_MODEL = 64
VOCAB = 1000000

def setup_inputs(seed: int = 0) -> dict:
    key = jax.random.key(seed)
    k1, k2 = jax.random.split(key)
    x = jax.random.randint(k1, (4096, 200), 0, VOCAB, dtype=jnp.int64)
    table = jax.random.normal(k2, (VOCAB, D_MODEL), dtype=jnp.float32) * 0.02
    return {"x": x, "table": table}

def reference(x, table):
    # nn.Embedding lookup followed by sqrt(d_model) scaling
    emb = jnp.take(table, x, axis=0)
    return emb * math.sqrt(D_MODEL)

if __name__ == "__main__":
    import jax
    _d = setup_inputs()
    print(jax.jit(kernel)(*tuple(_d.values())))

</pallas_src>

<mosaic_0001>
#map = affine_map<(d0, d1) -> (0, 0, 0, 0)>
#map1 = affine_map<(d0, d1) -> (0, 0)>
#map2 = affine_map<(d0, d1) -> (0, 0, 0, 0, 0)>
module attributes {stable_mosaic.version = 14 : i64} {
  func.func @_emb_lookup(%arg0: i32, %arg1: i32, %arg2: memref<25x32x8x128xi32, #tpu.memory_space<hbm>>, %arg3: memref<1000000x64xf32, #tpu.memory_space<hbm>>, %arg4: memref<200x8x32x8x128xf32, #tpu.memory_space<hbm>>, %arg5: memref<25x8x128xi32, #tpu.memory_space<vmem>>, %arg6: memref<4x128x64xf32, #tpu.memory_space<vmem>>, %arg7: memref<2x8x8x128xf32, #tpu.memory_space<vmem>>, %arg8: memref<4x!tpu.dma_semaphore, #tpu.memory_space<semaphore_mem>>, %arg9: memref<2x!tpu.dma_semaphore, #tpu.memory_space<semaphore_mem>>) attributes {dimension_semantics = [#tpu.dimension_semantics<core_parallel>, #tpu.dimension_semantics<subcore_parallel>], iteration_bounds = array<i64: 2, 16>, scalar_prefetch = 0 : i64, scratch_operands = 5 : i64, tpu.core_type = #tpu.core_type<sc_vector_subcore>, window_params = [{transform_indices = #map}, {transform_indices = #map1}, {transform_indices = #map2}]} {
    %mul3A = arith.constant 2 : i32
    %mul3A_0 = arith.muli %arg1, %mul3A : i32
    %add3A = arith.addi %mul3A_0, %arg0 : i32
    "tpu.region"() ({
      %run_scoped3A = tpu.sem_alloc : memref<!tpu.dma_semaphore, #tpu.memory_space<semaphore_mem>>
      %dma_start3A_118 = arith.constant 0 : i32
      %dma_start3A_119 = arith.constant 0 : i32
      %dma_start3A_120 = arith.constant 0 : i32
      %dma_start3A_121 = tpu.memref_slice %arg2[%dma_start3A_118, %add3A, %dma_start3A_119, %dma_start3A_120] : memref<25x32x8x128xi32, #tpu.memory_space<hbm>> -> memref<25x1x8x128xi32, #tpu.memory_space<hbm>>
      %dma_start3A_122 = tpu.memref_squeeze %dma_start3A_121 : memref<25x1x8x128xi32, #tpu.memory_space<hbm>> -> memref<25x8x128xi32, #tpu.memory_space<hbm>>
      %dma_start3A_123 = arith.constant 0 : i32
      %dma_start3A_124 = arith.constant 0 : i32
      %dma_start3A_125 = arith.constant 0 : i32
      %dma_start3A_126 = tpu.memref_slice %arg2[%dma_start3A_123, %add3A, %dma_start3A_124, %dma_start3A_125] : memref<25x32x8x128xi32, #tpu.memory_space<hbm>> -> memref<25x1x8x128xi32, #tpu.memory_space<hbm>>
      %dma_start3A_127 = tpu.memref_squeeze %dma_start3A_126 : memref<25x1x8x128xi32, #tpu.memory_space<hbm>> -> memref<25x8x128xi32, #tpu.memory_space<hbm>>
      tpu.enqueue_dma source(%dma_start3A_127 : memref<25x8x128xi32, #tpu.memory_space<hbm>>) target(%arg5 : memref<25x8x128xi32, #tpu.memory_space<vmem>>) target_semaphore(%run_scoped3A : memref<!tpu.dma_semaphore, #tpu.memory_space<semaphore_mem>>)
      %dma_wait3A_128 = arith.constant 0 : i32
      %dma_wait3A_129 = arith.constant 0 : i32
      %dma_wait3A_130 = arith.constant 0 : i32
      %dma_wait3A_131 = tpu.memref_slice %arg2[%dma_wait3A_128, %add3A, %dma_wait3A_129, %dma_wait3A_130] : memref<25x32x8x128xi32, #tpu.memory_space<hbm>> -> memref<25x1x8x128xi32, #tpu.memory_space<hbm>>
      %dma_wait3A_132 = tpu.memref_squeeze %dma_wait3A_131 : memref<25x1x8x128xi32, #tpu.memory_space<hbm>> -> memref<25x8x128xi32, #tpu.memory_space<hbm>>
      %dma_wait3A_133 = arith.constant 0 : i32
      %dma_wait3A_134 = arith.constant 0 : i32
      %dma_wait3A_135 = arith.constant 0 : i32
      %dma_wait3A_136 = tpu.memref_slice %arg2[%dma_wait3A_133, %add3A, %dma_wait3A_134, %dma_wait3A_135] : memref<25x32x8x128xi32, #tpu.memory_space<hbm>> -> memref<25x1x8x128xi32, #tpu.memory_space<hbm>>
      %dma_wait3A_137 = tpu.memref_squeeze %dma_wait3A_136 : memref<25x1x8x128xi32, #tpu.memory_space<hbm>> -> memref<25x8x128xi32, #tpu.memory_space<hbm>>
      tpu.wait_dma2 semaphore(%run_scoped3A : memref<!tpu.dma_semaphore, #tpu.memory_space<semaphore_mem>>) src(%dma_wait3A_137 : memref<25x8x128xi32, #tpu.memory_space<hbm>>) dst(%arg5 : memref<25x8x128xi32, #tpu.memory_space<vmem>>)
      tpu.yield
    }) : () -> ()
    %dma_start3A = arith.constant 0 : i32
    %dma_start3A_1 = arith.constant 0 : i32
    %dma_start3A_2 = arith.constant 0 : i32
    %dma_start3A_3 = arith.constant 0 : i32
    %dma_start3A_4 = arith.constant 0 : i32
    %dma_start3A_5 = arith.constant 0 : i32
    %dma_start3A_6 = tpu.memref_slice %arg6[%dma_start3A_2, %dma_start3A_4, %dma_start3A_5] : memref<4x128x64xf32, #tpu.memory_space<vmem>> -> memref<1x128x64xf32, #tpu.memory_space<vmem>>
    %dma_start3A_7 = tpu.memref_squeeze %dma_start3A_6 : memref<1x128x64xf32, #tpu.memory_space<vmem>> -> memref<128x64xf32, #tpu.memory_space<vmem>>
    %dma_start3A_8 = arith.constant 0 : i32
    %dma_start3A_9 = tpu.memref_slice %arg5[%dma_start3A, %dma_start3A_1, %dma_start3A_8] : memref<25x8x128xi32, #tpu.memory_space<vmem>> -> memref<1x1x128xi32, #tpu.memory_space<vmem>>
    %dma_start3A_10 = tpu.memref_squeeze %dma_start3A_9 : memref<1x1x128xi32, #tpu.memory_space<vmem>> -> memref<128xi32, #tpu.memory_space<vmem>>
    %dma_start3A_11 = arith.constant 0 : i32
    %dma_start3A_12 = arith.constant 0 : i32
    %dma_start3A_13 = tpu.memref_slice %arg3[%dma_start3A_11, %dma_start3A_12] : memref<1000000x64xf32, #tpu.memory_space<hbm>> -> memref<1000000x64xf32, #tpu.memory_space<hbm>>
    %dma_start3A_14 = tpu.memref_slice %arg8[%dma_start3A_3] : memref<4x!tpu.dma_semaphore, #tpu.memory_space<semaphore_mem>> -> memref<1x!tpu.dma_semaphore, #tpu.memory_space<semaphore_mem>>
    %dma_start3A_15 = tpu.memref_squeeze %dma_start3A_14 : memref<1x!tpu.dma_semaphore, #tpu.memory_space<semaphore_mem>> -> memref<!tpu.dma_semaphore, #tpu.memory_space<semaphore_mem>>
    tpu.enqueue_indirect_dma source(%dma_start3A_13 : memref<1000000x64xf32, #tpu.memory_space<hbm>>) target(%dma_start3A_7 : memref<128x64xf32, #tpu.memory_space<vmem>>) offsets(%dma_start3A_10 : memref<128xi32, #tpu.memory_space<vmem>>) semaphore(%dma_start3A_15 : memref<!tpu.dma_semaphore, #tpu.memory_space<semaphore_mem>>)
    %dma_start3A_16 = arith.constant 0 : i32
    %dma_start3A_17 = arith.constant 1 : i32
    %dma_start3A_18 = arith.constant 1 : i32
    %dma_start3A_19 = arith.constant 1 : i32
    %dma_start3A_20 = arith.constant 0 : i32
    %dma_start3A_21 = arith.constant 0 : i32
    %dma_start3A_22 = tpu.memref_slice %arg6[%dma_start3A_18, %dma_start3A_20, %dma_start3A_21] : memref<4x128x64xf32, #tpu.memory_space<vmem>> -> memref<1x128x64xf32, #tpu.memory_space<vmem>>
    %dma_start3A_23 = tpu.memref_squeeze %dma_start3A_22 : memref<1x128x64xf32, #tpu.memory_space<vmem>> -> memref<128x64xf32, #tpu.memory_space<vmem>>
    %dma_start3A_24 = arith.constant 0 : i32
    %dma_start3A_25 = tpu.memref_slice %arg5[%dma_start3A_16, %dma_start3A_17, %dma_start3A_24] : memref<25x8x128xi32, #tpu.memory_space<vmem>> -> memref<1x1x128xi32, #tpu.memory_space<vmem>>
    %dma_start3A_26 = tpu.memref_squeeze %dma_start3A_25 : memref<1x1x128xi32, #tpu.memory_space<vmem>> -> memref<128xi32, #tpu.memory_space<vmem>>
    %dma_start3A_27 = arith.constant 0 : i32
    %dma_start3A_28 = arith.constant 0 : i32
    %dma_start3A_29 = tpu.memref_slice %arg3[%dma_start3A_27, %dma_start3A_28] : memref<1000000x64xf32, #tpu.memory_space<hbm>> -> memref<1000000x64xf32, #tpu.memory_space<hbm>>
    %dma_start3A_30 = tpu.memref_slice %arg8[%dma_start3A_19] : memref<4x!tpu.dma_semaphore, #tpu.memory_space<semaphore_mem>> -> memref<1x!tpu.dma_semaphore, #tpu.memory_space<semaphore_mem>>
    %dma_start3A_31 = tpu.memref_squeeze %dma_start3A_30 : memref<1x!tpu.dma_semaphore, #tpu.memory_space<semaphore_mem>> -> memref<!tpu.dma_semaphore, #tpu.memory_space<semaphore_mem>>
    tpu.enqueue_indirect_dma source(%dma_start3A_29 : memref<1000000x64xf32, #tpu.memory_space<hbm>>) target(%dma_start3A_23 : memref<128x64xf32, #tpu.memory_space<vmem>>) offsets(%dma_start3A_26 : memref<128xi32, #tpu.memory_space<vmem>>) semaphore(%dma_start3A_31 : memref<!tpu.dma_semaphore, #tpu.memory_space<semaphore_mem>>)
    %dma_start3A_32 = arith.constant 0 : i32
    %dma_start3A_33 = arith.constant 2 : i32
    %dma_start3A_34 = arith.constant 2 : i32
    %dma_start3A_35 = arith.constant 2 : i32
    %dma_start3A_36 = arith.constant 0 : i32
    %dma_start3A_37 = arith.constant 0 : i32
    %dma_start3A_38 = tpu.memref_slice %arg6[%dma_start3A_34, %dma_start3A_36, %dma_start3A_37] : memref<4x128x64xf32, #tpu.memory_space<vmem>> -> memref<1x128x64xf32, #tpu.memory_space<vmem>>
    %dma_start3A_39 = tpu.memref_squeeze %dma_start3A_38 : memref<1x128x64xf32, #tpu.memory_space<vmem>> -> memref<128x64xf32, #tpu.memory_space<vmem>>
    %dma_start3A_40 = arith.constant 0 : i32
    %dma_start3A_41 = tpu.memref_slice %arg5[%dma_start3A_32, %dma_start3A_33, %dma_start3A_40] : memref<25x8x128xi32, #tpu.memory_space<vmem>> -> memref<1x1x128xi32, #tpu.memory_space<vmem>>
    %dma_start3A_42 = tpu.memref_squeeze %dma_start3A_41 : memref<1x1x128xi32, #tpu.memory_space<vmem>> -> memref<128xi32, #tpu.memory_space<vmem>>
    %dma_start3A_43 = arith.constant 0 : i32
    %dma_start3A_44 = arith.constant 0 : i32
    %dma_start3A_45 = tpu.memref_slice %arg3[%dma_start3A_43, %dma_start3A_44] : memref<1000000x64xf32, #tpu.memory_space<hbm>> -> memref<1000000x64xf32, #tpu.memory_space<hbm>>
    %dma_start3A_46 = tpu.memref_slice %arg8[%dma_start3A_35] : memref<4x!tpu.dma_semaphore, #tpu.memory_space<semaphore_mem>> -> memref<1x!tpu.dma_semaphore, #tpu.memory_space<semaphore_mem>>
    %dma_start3A_47 = tpu.memref_squeeze %dma_start3A_46 : memref<1x!tpu.dma_semaphore, #tpu.memory_space<semaphore_mem>> -> memref<!tpu.dma_semaphore, #tpu.memory_space<semaphore_mem>>
    tpu.enqueue_indirect_dma source(%dma_start3A_45 : memref<1000000x64xf32, #tpu.memory_space<hbm>>) target(%dma_start3A_39 : memref<128x64xf32, #tpu.memory_space<vmem>>) offsets(%dma_start3A_42 : memref<128xi32, #tpu.memory_space<vmem>>) semaphore(%dma_start3A_47 : memref<!tpu.dma_semaphore, #tpu.memory_space<semaphore_mem>>)
    %dma_start3A_48 = arith.constant 0 : i32
    %dma_start3A_49 = arith.constant 3 : i32
    %dma_start3A_50 = arith.constant 3 : i32
    %dma_start3A_51 = arith.constant 3 : i32
    %dma_start3A_52 = arith.constant 0 : i32
    %dma_start3A_53 = arith.constant 0 : i32
    %dma_start3A_54 = tpu.memref_slice %arg6[%dma_start3A_50, %dma_start3A_52, %dma_start3A_53] : memref<4x128x64xf32, #tpu.memory_space<vmem>> -> memref<1x128x64xf32, #tpu.memory_space<vmem>>
    %dma_start3A_55 = tpu.memref_squeeze %dma_start3A_54 : memref<1x128x64xf32, #tpu.memory_space<vmem>> -> memref<128x64xf32, #tpu.memory_space<vmem>>
    %dma_start3A_56 = arith.constant 0 : i32
    %dma_start3A_57 = tpu.memref_slice %arg5[%dma_start3A_48, %dma_start3A_49, %dma_start3A_56] : memref<25x8x128xi32, #tpu.memory_space<vmem>> -> memref<1x1x128xi32, #tpu.memory_space<vmem>>
    %dma_start3A_58 = tpu.memref_squeeze %dma_start3A_57 : memref<1x1x128xi32, #tpu.memory_space<vmem>> -> memref<128xi32, #tpu.memory_space<vmem>>
    %dma_start3A_59 = arith.constant 0 : i32
    %dma_start3A_60 = arith.constant 0 : i32
    %dma_start3A_61 = tpu.memref_slice %arg3[%dma_start3A_59, %dma_start3A_60] : memref<1000000x64xf32, #tpu.memory_space<hbm>> -> memref<1000000x64xf32, #tpu.memory_space<hbm>>
    %dma_start3A_62 = tpu.memref_slice %arg8[%dma_start3A_51] : memref<4x!tpu.dma_semaphore, #tpu.memory_space<semaphore_mem>> -> memref<1x!tpu.dma_semaphore, #tpu.memory_space<semaphore_mem>>
    %dma_start3A_63 = tpu.memref_squeeze %dma_start3A_62 : memref<1x!tpu.dma_semaphore, #tpu.memory_space<semaphore_mem>> -> memref<!tpu.dma_semaphore, #tpu.memory_space<semaphore_mem>>
    tpu.enqueue_indirect_dma source(%dma_start3A_61 : memref<1000000x64xf32, #tpu.memory_space<hbm>>) target(%dma_start3A_55 : memref<128x64xf32, #tpu.memory_space<vmem>>) offsets(%dma_start3A_58 : memref<128xi32, #tpu.memory_space<vmem>>) semaphore(%dma_start3A_63 : memref<!tpu.dma_semaphore, #tpu.memory_space<semaphore_mem>>)
    %iota3A = tpu.iota {dimensions = array<i32: 0>} : vector<16xi32>
    %scan3A = arith.constant 0 : i32
    %scan3A_64 = arith.constant 0 : i32
    %scan3A_65 = arith.constant 50 : i32
    %scan3A_66 = arith.addi %scan3A_64, %scan3A_65 : i32
    %scan3A_67 = arith.constant 1 : i32
    scf.for %scan3A_118 = %scan3A_64 to %scan3A_66 step %scan3A_67  : i32 {
      %mul3A_119 = arith.constant 4 : i32
      %mul3A_120 = arith.muli %scan3A_118, %mul3A_119 : i32
      %add3A_121 = arith.constant 0 : i32
      %add3A_122 = arith.addi %mul3A_120, %add3A_121 : i32
      %jit3A = arith.constant 8 : i32
      %div3A = arith.divsi %add3A_122, %jit3A : i32
      %sign3A = arith.constant 0 : i32
      %sign3A_123 = arith.cmpi sgt, %add3A_122, %sign3A : i32
      %sign3A_124 = arith.extui %sign3A_123 : i1 to i32
      %sign3A_125 = arith.constant 0 : i32
      %sign3A_126 = arith.cmpi slt, %add3A_122, %sign3A_125 : i32
      %sign3A_127 = arith.extui %sign3A_126 : i1 to i32
      %sign3A_128 = arith.subi %sign3A_124, %sign3A_127 : i32
      %sign3A_129 = arith.constant 0 : i32
      %sign3A_130 = arith.cmpi sgt, %jit3A, %sign3A_129 : i32
      %sign3A_131 = arith.extui %sign3A_130 : i1 to i32
      %sign3A_132 = arith.constant 0 : i32
      %sign3A_133 = arith.cmpi slt, %jit3A, %sign3A_132 : i32
      %sign3A_134 = arith.extui %sign3A_133 : i1 to i32
      %sign3A_135 = arith.subi %sign3A_131, %sign3A_134 : i32
      %ne3A = arith.cmpi ne, %sign3A_128, %sign3A_135 : i32
      %rem3A = arith.remsi %add3A_122, %jit3A : i32
      %ne3A_136 = arith.constant 0 : i32
      %ne3A_137 = arith.cmpi ne, %rem3A, %ne3A_136 : i32
      %and3A = arith.andi %ne3A, %ne3A_137 : i1
      %sub3A = arith.constant 1 : i32
      %sub3A_138 = arith.subi %div3A, %sub3A : i32
      %select_n3A = arith.select %and3A, %sub3A_138, %div3A : i32
      %jit3A_139 = arith.constant 8 : i32
      %eq3A = arith.constant 0 : i32
      %eq3A_140 = arith.cmpi eq, %jit3A_139, %eq3A : i32
      %jit3A_141 = arith.constant 1 : i32
      %select_n3A_142 = arith.select %eq3A_140, %jit3A_141, %jit3A_139 : i32
      %rem3A_143 = arith.remsi %add3A_122, %select_n3A_142 : i32
      %ne3A_144 = arith.constant 0 : i32
      %ne3A_145 = arith.cmpi ne, %rem3A_143, %ne3A_144 : i32
      %lt3A = arith.constant 0 : i32
      %lt3A_146 = arith.cmpi slt, %rem3A_143, %lt3A : i32
      %lt3A_147 = arith.constant 0 : i32
      %lt3A_148 = arith.cmpi slt, %select_n3A_142, %lt3A_147 : i32
      %ne3A_149 = arith.xori %lt3A_146, %lt3A_148 : i1
      %and3A_150 = arith.andi %ne3A_149, %ne3A_145 : i1
      %add3A_151 = arith.addi %rem3A_143, %select_n3A_142 : i32
      %select_n3A_152 = arith.select %and3A_150, %add3A_151, %rem3A_143 : i32
      %dma_wait3A_153 = arith.constant 0 : i32
      %dma_wait3A_154 = arith.constant 0 : i32
      %dma_wait3A_155 = arith.constant 0 : i32
      %dma_wait3A_156 = arith.constant 0 : i32
      %dma_wait3A_157 = tpu.memref_slice %arg6[%dma_wait3A_153, %dma_wait3A_155, %dma_wait3A_156] : memref<4x128x64xf32, #tpu.memory_space<vmem>> -> memref<1x128x64xf32, #tpu.memory_space<vmem>>
      %dma_wait3A_158 = tpu.memref_squeeze %dma_wait3A_157 : memref<1x128x64xf32, #tpu.memory_space<vmem>> -> memref<128x64xf32, #tpu.memory_space<vmem>>
      %dma_wait3A_159 = arith.constant 0 : i32
      %dma_wait3A_160 = tpu.memref_slice %arg5[%select_n3A, %select_n3A_152, %dma_wait3A_159] : memref<25x8x128xi32, #tpu.memory_space<vmem>> -> memref<1x1x128xi32, #tpu.memory_space<vmem>>
      %dma_wait3A_161 = tpu.memref_squeeze %dma_wait3A_160 : memref<1x1x128xi32, #tpu.memory_space<vmem>> -> memref<128xi32, #tpu.memory_space<vmem>>
      %dma_wait3A_162 = arith.constant 0 : i32
      %dma_wait3A_163 = arith.constant 0 : i32
      %dma_wait3A_164 = tpu.memref_slice %arg3[%dma_wait3A_162, %dma_wait3A_163] : memref<1000000x64xf32, #tpu.memory_space<hbm>> -> memref<1000000x64xf32, #tpu.memory_space<hbm>>
      %dma_wait3A_165 = tpu.memref_slice %arg8[%dma_wait3A_154] : memref<4x!tpu.dma_semaphore, #tpu.memory_space<semaphore_mem>> -> memref<1x!tpu.dma_semaphore, #tpu.memory_space<semaphore_mem>>
      %dma_wait3A_166 = tpu.memref_squeeze %dma_wait3A_165 : memref<1x!tpu.dma_semaphore, #tpu.memory_space<semaphore_mem>> -> memref<!tpu.dma_semaphore, #tpu.memory_space<semaphore_mem>>
      tpu.wait_indirect_dma semaphore(%dma_wait3A_166 : memref<!tpu.dma_semaphore, #tpu.memory_space<semaphore_mem>>) src(%dma_wait3A_164 : memref<1000000x64xf32, #tpu.memory_space<hbm>>) dst(%dma_wait3A_158 : memref<128x64xf32, #tpu.memory_space<vmem>>)
      %gt3A = arith.constant 0 : i32
      %gt3A_167 = arith.cmpi sgt, %scan3A_118, %gt3A : i32
      %convert_element_type3A = arith.extui %gt3A_167 : i1 to i32
      %cond3A = arith.constant 0 : i32
      %cond3A_168 = arith.cmpi ne, %convert_element_type3A, %cond3A : i32
      scf.if %cond3A_168 {
        %dma_wait3A_523 = arith.constant 0 : i32
        %dma_wait3A_524 = arith.constant 0 : i32
        %dma_wait3A_525 = arith.constant 0 : i32
        %dma_wait3A_526 = arith.constant 0 : i32
        %dma_wait3A_527 = arith.constant 0 : i32
        %dma_wait3A_528 = tpu.memref_slice %arg7[%dma_wait3A_523, %dma_wait3A_525, %dma_wait3A_526, %dma_wait3A_527] : memref<2x8x8x128xf32, #tpu.memory_space<vmem>> -> memref<1x8x8x128xf32, #tpu.memory_space<vmem>>
        %dma_wait3A_529 = tpu.memref_squeeze %dma_wait3A_528 : memref<1x8x8x128xf32, #tpu.memory_space<vmem>> -> memref<8x8x128xf32, #tpu.memory_space<vmem>>
        %dma_wait3A_530 = arith.constant 0 : i32
        %dma_wait3A_531 = arith.constant 0 : i32
        %dma_wait3A_532 = arith.constant 0 : i32
        %dma_wait3A_533 = tpu.memref_slice %arg4[%add3A_122, %dma_wait3A_530, %add3A, %dma_wait3A_531, %dma_wait3A_532] : memref<200x8x32x8x128xf32, #tpu.memory_space<hbm>> -> memref<1x8x1x8x128xf32, #tpu.memory_space<hbm>>
        %dma_wait3A_534 = tpu.memref_squeeze %dma_wait3A_533 : memref<1x8x1x8x128xf32, #tpu.memory_space<hbm>> -> memref<8x8x128xf32, #tpu.memory_space<hbm>>
        %dma_wait3A_535 = tpu.memref_slice %arg9[%dma_wait3A_524] : memref<2x!tpu.dma_semaphore, #tpu.memory_space<semaphore_mem>> -> memref<1x!tpu.dma_semaphore, #tpu.memory_space<semaphore_mem>>
        %dma_wait3A_536 = tpu.memref_squeeze %dma_wait3A_535 : memref<1x!tpu.dma_semaphore, #tpu.memory_space<semaphore_mem>> -> memref<!tpu.dma_semaphore, #tpu.memory_space<semaphore_mem>>
        %dma_wait3A_537 = arith.constant 0 : i32
        %dma_wait3A_538 = arith.constant 0 : i32
        %dma_wait3A_539 = arith.constant 0 : i32
        %dma_wait3A_540 = tpu.memref_slice %arg4[%add3A_122, %dma_wait3A_537, %add3A, %dma_wait3A_538, %dma_wait3A_539] : memref<200x8x32x8x128xf32, #tpu.memory_space<hbm>> -> memref<1x8x1x8x128xf32, #tpu.memory_space<hbm>>
        %dma_wait3A_541 = tpu.memref_squeeze %dma_wait3A_540 : memref<1x8x1x8x128xf32, #tpu.memory_space<hbm>> -> memref<8x8x128xf32, #tpu.memory_space<hbm>>
        %dma_wait3A_542 = arith.constant 0 : i32
        %dma_wait3A_543 = arith.constant 0 : i32
        %dma_wait3A_544 = arith.constant 0 : i32
        %dma_wait3A_545 = tpu.memref_slice %arg7[%dma_wait3A_523, %dma_wait3A_542, %dma_wait3A_543, %dma_wait3A_544] : memref<2x8x8x128xf32, #tpu.memory_space<vmem>> -> memref<1x8x8x128xf32, #tpu.memory_space<vmem>>
        %dma_wait3A_546 = tpu.memref_squeeze %dma_wait3A_545 : memref<1x8x8x128xf32, #tpu.memory_space<vmem>> -> memref<8x8x128xf32, #tpu.memory_space<vmem>>
        tpu.wait_dma2 semaphore(%dma_wait3A_536 : memref<!tpu.dma_semaphore, #tpu.memory_space<semaphore_mem>>) src(%dma_wait3A_546 : memref<8x8x128xf32, #tpu.memory_space<vmem>>) dst(%dma_wait3A_541 : memref<8x8x128xf32, #tpu.memory_space<hbm>>)
      } else {
      }
      %parallel_loop3A = arith.constant 0 : i32
      %parallel_loop3A_169 = arith.constant 512 : i32
      %parallel_loop3A_170 = arith.constant 1 : i32
      scf.for %parallel_loop3A_523 = %parallel_loop3A to %parallel_loop3A_169 step %parallel_loop3A_170  : i32 {
        %parallel_loop3A_524 = arith.constant 3 : i32
        %parallel_loop3A_525 = arith.shrsi %parallel_loop3A_523, %parallel_loop3A_524 : i32
        %parallel_loop3A_526 = arith.constant 7 : i32
        %parallel_loop3A_527 = arith.andi %parallel_loop3A_523, %parallel_loop3A_526 : i32
        %parallel_loop3A_528 = arith.constant 16 : i32
        %parallel_loop3A_529 = arith.muli %parallel_loop3A_527, %parallel_loop3A_528 : i32
        %parallel_loop3A_530 = vector.broadcast %parallel_loop3A_529 : i32 to vector<16xi32>
        %parallel_loop3A_531 = arith.addi %parallel_loop3A_530, %iota3A : vector<16xi32>
        %parallel_loop3A_532 = vector.broadcast %parallel_loop3A_525 : i32 to vector<16xi32>
        %parallel_loop3A_533 = arith.addi %parallel_loop3A_532, %iota3A : vector<16xi32>
        %parallel_loop3A_534 = arith.constant 63 : i32
        %parallel_loop3A_535 = vector.broadcast %parallel_loop3A_534 : i32 to vector<16xi32>
        %parallel_loop3A_536 = arith.andi %parallel_loop3A_533, %parallel_loop3A_535 : vector<16xi32>
        %parallel_loop3A_537 = arith.constant 0 : i32
        %parallel_loop3A_538 = arith.constant 0 : i32
        %parallel_loop3A_539 = arith.constant 0 : i32
        %parallel_loop3A_540 = tpu.memref_slice %arg6[%parallel_loop3A_537, %parallel_loop3A_538, %parallel_loop3A_539] : memref<4x128x64xf32, #tpu.memory_space<vmem>> -> memref<1x128x64xf32, #tpu.memory_space<vmem>>
        %parallel_loop3A_541 = tpu.memref_squeeze %parallel_loop3A_540 : memref<1x128x64xf32, #tpu.memory_space<vmem>> -> memref<128x64xf32, #tpu.memory_space<vmem>>
        %parallel_loop3A_542 = tpu.vector_load_idx %parallel_loop3A_541[%parallel_loop3A_531, %parallel_loop3A_536] : memref<128x64xf32, #tpu.memory_space<vmem>>[vector<16xi32>, vector<16xi32>], vector<16xf32>,
        %parallel_loop3A_543 = arith.constant 3 : i32
        %parallel_loop3A_544 = vector.broadcast %parallel_loop3A_543 : i32 to vector<16xi32>
        %parallel_loop3A_545 = arith.shrsi %parallel_loop3A_536, %parallel_loop3A_544 : vector<16xi32>
        %parallel_loop3A_546 = arith.constant 7 : i32
        %parallel_loop3A_547 = vector.broadcast %parallel_loop3A_546 : i32 to vector<16xi32>
        %parallel_loop3A_548 = arith.andi %parallel_loop3A_536, %parallel_loop3A_547 : vector<16xi32>
        %parallel_loop3A_549 = arith.constant 8.000000e+00 : f32
        %parallel_loop3A_550 = vector.broadcast %parallel_loop3A_549 : f32 to vector<16xf32>
        %parallel_loop3A_551 = arith.mulf %parallel_loop3A_542, %parallel_loop3A_550 : vector<16xf32>
        %parallel_loop3A_552 = arith.constant 0 : i32
        %parallel_loop3A_553 = arith.constant 0 : i32
        %parallel_loop3A_554 = arith.constant 0 : i32
        %parallel_loop3A_555 = arith.constant 0 : i32
        %parallel_loop3A_556 = tpu.memref_slice %arg7[%parallel_loop3A_552, %parallel_loop3A_553, %parallel_loop3A_554, %parallel_loop3A_555] : memref<2x8x8x128xf32, #tpu.memory_space<vmem>> -> memref<1x8x8x128xf32, #tpu.memory_space<vmem>>
        %parallel_loop3A_557 = tpu.memref_squeeze %parallel_loop3A_556 : memref<1x8x8x128xf32, #tpu.memory_space<vmem>> -> memref<8x8x128xf32, #tpu.memory_space<vmem>>
        tpu.vector_store_idx %parallel_loop3A_557[%parallel_loop3A_545, %parallel_loop3A_548, %parallel_loop3A_531], %parallel_loop3A_551 : memref<8x8x128xf32, #tpu.memory_space<vmem>>[vector<16xi32>, vector<16xi32>, vector<16xi32>], vector<16xf32>,
      } {sc.loop_unroll_factor = 8 : i64, sc.parallel_access}
      %dma_start3A_171 = arith.constant 0 : i32
      %dma_start3A_172 = arith.constant 0 : i32
      %dma_start3A_173 = arith.constant 0 : i32
      %dma_start3A_174 = arith.constant 0 : i32
      %dma_start3A_175 = arith.constant 0 : i32
      %dma_start3A_176 = tpu.memref_slice %arg7[%dma_start3A_171, %dma_start3A_173, %dma_start3A_174, %dma_start3A_175] : memref<2x8x8x128xf32, #tpu.memory_space<vmem>> -> memref<1x8x8x128xf32, #tpu.memory_space<vmem>>
      %dma_start3A_177 = tpu.memref_squeeze %dma_start3A_176 : memref<1x8x8x128xf32, #tpu.memory_space<vmem>> -> memref<8x8x128xf32, #tpu.memory_space<vmem>>
      %dma_start3A_178 = arith.constant 0 : i32
      %dma_start3A_179 = arith.constant 0 : i32
      %dma_start3A_180 = arith.constant 0 : i32
      %dma_start3A_181 = tpu.memref_slice %arg4[%add3A_122, %dma_start3A_178, %add3A, %dma_start3A_179, %dma_start3A_180] : memref<200x8x32x8x128xf32, #tpu.memory_space<hbm>> -> memref<1x8x1x8x128xf32, #tpu.memory_space<hbm>>
      %dma_start3A_182 = tpu.memref_squeeze %dma_start3A_181 : memref<1x8x1x8x128xf32, #tpu.memory_space<hbm>> -> memref<8x8x128xf32, #tpu.memory_space<hbm>>
      %dma_start3A_183 = tpu.memref_slice %arg9[%dma_start3A_172] : memref<2x!tpu.dma_semaphore, #tpu.memory_space<semaphore_mem>> -> memref<1x!tpu.dma_semaphore, #tpu.memory_space<semaphore_mem>>
      %dma_start3A_184 = tpu.memref_squeeze %dma_start3A_183 : memref<1x!tpu.dma_semaphore, #tpu.memory_space<semaphore_mem>> -> memref<!tpu.dma_semaphore, #tpu.memory_space<semaphore_mem>>
      %dma_start3A_185 = arith.constant 0 : i32
      %dma_start3A_186 = arith.constant 0 : i32
      %dma_start3A_187 = arith.constant 0 : i32
      %dma_start3A_188 = tpu.memref_slice %arg4[%add3A_122, %dma_start3A_185, %add3A, %dma_start3A_186, %dma_start3A_187] : memref<200x8x32x8x128xf32, #tpu.memory_space<hbm>> -> memref<1x8x1x8x128xf32, #tpu.memory_space<hbm>>
      %dma_start3A_189 = tpu.memref_squeeze %dma_start3A_188 : memref<1x8x1x8x128xf32, #tpu.memory_space<hbm>> -> memref<8x8x128xf32, #tpu.memory_space<hbm>>
      %dma_start3A_190 = arith.constant 0 : i32
      %dma_start3A_191 = arith.constant 0 : i32
      %dma_start3A_192 = arith.constant 0 : i32
      %dma_start3A_193 = tpu.memref_slice %arg7[%dma_start3A_171, %dma_start3A_190, %dma_start3A_191, %dma_start3A_192] : memref<2x8x8x128xf32, #tpu.memory_space<vmem>> -> memref<1x8x8x128xf32, #tpu.memory_space<vmem>>
      %dma_start3A_194 = tpu.memref_squeeze %dma_start3A_193 : memref<1x8x8x128xf32, #tpu.memory_space<vmem>> -> memref<8x8x128xf32, #tpu.memory_space<vmem>>
      tpu.enqueue_dma source(%dma_start3A_194 : memref<8x8x128xf32, #tpu.memory_space<vmem>>) target(%dma_start3A_189 : memref<8x8x128xf32, #tpu.memory_space<hbm>>) target_semaphore(%dma_start3A_184 : memref<!tpu.dma_semaphore, #tpu.memory_space<semaphore_mem>>)
      %lt3A_195 = arith.constant 49 : i32
      %lt3A_196 = arith.cmpi slt, %scan3A_118, %lt3A_195 : i32
      %convert_element_type3A_197 = arith.extui %lt3A_196 : i1 to i32
      %cond3A_198 = arith.constant 0 : i32
      %cond3A_199 = arith.cmpi ne, %convert_element_type3A_197, %cond3A_198 : i32
      scf.if %cond3A_199 {
        %add3A_523 = arith.constant 4 : i32
        %add3A_524 = arith.addi %add3A_122, %add3A_523 : i32
        %jit3A_525 = arith.constant 8 : i32
        %div3A_526 = arith.divsi %add3A_524, %jit3A_525 : i32
        %sign3A_527 = arith.constant 0 : i32
        %sign3A_528 = arith.cmpi sgt, %add3A_524, %sign3A_527 : i32
        %sign3A_529 = arith.extui %sign3A_528 : i1 to i32
        %sign3A_530 = arith.constant 0 : i32
        %sign3A_531 = arith.cmpi slt, %add3A_524, %sign3A_530 : i32
        %sign3A_532 = arith.extui %sign3A_531 : i1 to i32
        %sign3A_533 = arith.subi %sign3A_529, %sign3A_532 : i32
        %sign3A_534 = arith.constant 0 : i32
        %sign3A_535 = arith.cmpi sgt, %jit3A_525, %sign3A_534 : i32
        %sign3A_536 = arith.extui %sign3A_535 : i1 to i32
        %sign3A_537 = arith.constant 0 : i32
        %sign3A_538 = arith.cmpi slt, %jit3A_525, %sign3A_537 : i32
        %sign3A_539 = arith.extui %sign3A_538 : i1 to i32
        %sign3A_540 = arith.subi %sign3A_536, %sign3A_539 : i32
        %ne3A_541 = arith.cmpi ne, %sign3A_533, %sign3A_540 : i32
        %rem3A_542 = arith.remsi %add3A_524, %jit3A_525 : i32
        %ne3A_543 = arith.constant 0 : i32
        %ne3A_544 = arith.cmpi ne, %rem3A_542, %ne3A_543 : i32
        %and3A_545 = arith.andi %ne3A_541, %ne3A_544 : i1
        %sub3A_546 = arith.constant 1 : i32
        %sub3A_547 = arith.subi %div3A_526, %sub3A_546 : i32
        %select_n3A_548 = arith.select %and3A_545, %sub3A_547, %div3A_526 : i32
        %jit3A_549 = arith.constant 8 : i32
        %eq3A_550 = arith.constant 0 : i32
        %eq3A_551 = arith.cmpi eq, %jit3A_549, %eq3A_550 : i32
        %jit3A_552 = arith.constant 1 : i32
        %select_n3A_553 = arith.select %eq3A_551, %jit3A_552, %jit3A_549 : i32
        %rem3A_554 = arith.remsi %add3A_524, %select_n3A_553 : i32
        %ne3A_555 = arith.constant 0 : i32
        %ne3A_556 = arith.cmpi ne, %rem3A_554, %ne3A_555 : i32
        %lt3A_557 = arith.constant 0 : i32
        %lt3A_558 = arith.cmpi slt, %rem3A_554, %lt3A_557 : i32
        %lt3A_559 = arith.constant 0 : i32
        %lt3A_560 = arith.cmpi slt, %select_n3A_553, %lt3A_559 : i32
        %ne3A_561 = arith.xori %lt3A_558, %lt3A_560 : i1
        %and3A_562 = arith.andi %ne3A_561, %ne3A_556 : i1
        %add3A_563 = arith.addi %rem3A_554, %select_n3A_553 : i32
        %select_n3A_564 = arith.select %and3A_562, %add3A_563, %rem3A_554 : i32
        %dma_start3A_565 = arith.constant 0 : i32
        %dma_start3A_566 = arith.constant 0 : i32
        %dma_start3A_567 = arith.constant 0 : i32
        %dma_start3A_568 = arith.constant 0 : i32
        %dma_start3A_569 = tpu.memref_slice %arg6[%dma_start3A_565, %dma_start3A_567, %dma_start3A_568] : memref<4x128x64xf32, #tpu.memory_space<vmem>> -> memref<1x128x64xf32, #tpu.memory_space<vmem>>
        %dma_start3A_570 = tpu.memref_squeeze %dma_start3A_569 : memref<1x128x64xf32, #tpu.memory_space<vmem>> -> memref<128x64xf32, #tpu.memory_space<vmem>>
        %dma_start3A_571 = arith.constant 0 : i32
        %dma_start3A_572 = tpu.memref_slice %arg5[%select_n3A_548, %select_n3A_564, %dma_start3A_571] : memref<25x8x128xi32, #tpu.memory_space<vmem>> -> memref<1x1x128xi32, #tpu.memory_space<vmem>>
        %dma_start3A_573 = tpu.memref_squeeze %dma_start3A_572 : memref<1x1x128xi32, #tpu.memory_space<vmem>> -> memref<128xi32, #tpu.memory_space<vmem>>
        %dma_start3A_574 = arith.constant 0 : i32
        %dma_start3A_575 = arith.constant 0 : i32
        %dma_start3A_576 = tpu.memref_slice %arg3[%dma_start3A_574, %dma_start3A_575] : memref<1000000x64xf32, #tpu.memory_space<hbm>> -> memref<1000000x64xf32, #tpu.memory_space<hbm>>
        %dma_start3A_577 = tpu.memref_slice %arg8[%dma_start3A_566] : memref<4x!tpu.dma_semaphore, #tpu.memory_space<semaphore_mem>> -> memref<1x!tpu.dma_semaphore, #tpu.memory_space<semaphore_mem>>
        %dma_start3A_578 = tpu.memref_squeeze %dma_start3A_577 : memref<1x!tpu.dma_semaphore, #tpu.memory_space<semaphore_mem>> -> memref<!tpu.dma_semaphore, #tpu.memory_space<semaphore_mem>>
        tpu.enqueue_indirect_dma source(%dma_start3A_576 : memref<1000000x64xf32, #tpu.memory_space<hbm>>) target(%dma_start3A_570 : memref<128x64xf32, #tpu.memory_space<vmem>>) offsets(%dma_start3A_573 : memref<128xi32, #tpu.memory_space<vmem>>) semaphore(%dma_start3A_578 : memref<!tpu.dma_semaphore, #tpu.memory_space<semaphore_mem>>)
      } else {
      }
      %mul3A_200 = arith.constant 4 : i32
      %mul3A_201 = arith.muli %scan3A_118, %mul3A_200 : i32
      %add3A_202 = arith.constant 1 : i32
      %add3A_203 = arith.addi %mul3A_201, %add3A_202 : i32
      %jit3A_204 = arith.constant 8 : i32
      %div3A_205 = arith.divsi %add3A_203, %jit3A_204 : i32
      %sign3A_206 = arith.constant 0 : i32
      %sign3A_207 = arith.cmpi sgt, %add3A_203, %sign3A_206 : i32
      %sign3A_208 = arith.extui %sign3A_207 : i1 to i32
      %sign3A_209 = arith.constant 0 : i32
      %sign3A_210 = arith.cmpi slt, %add3A_203, %sign3A_209 : i32
      %sign3A_211 = arith.extui %sign3A_210 : i1 to i32
      %sign3A_212 = arith.subi %sign3A_208, %sign3A_211 : i32
      %sign3A_213 = arith.constant 0 : i32
      %sign3A_214 = arith.cmpi sgt, %jit3A_204, %sign3A_213 : i32
      %sign3A_215 = arith.extui %sign3A_214 : i1 to i32
      %sign3A_216 = arith.constant 0 : i32
      %sign3A_217 = arith.cmpi slt, %jit3A_204, %sign3A_216 : i32
      %sign3A_218 = arith.extui %sign3A_217 : i1 to i32
      %sign3A_219 = arith.subi %sign3A_215, %sign3A_218 : i32
      %ne3A_220 = arith.cmpi ne, %sign3A_212, %sign3A_219 : i32
      %rem3A_221 = arith.remsi %add3A_203, %jit3A_204 : i32
      %ne3A_222 = arith.constant 0 : i32
      %ne3A_223 = arith.cmpi ne, %rem3A_221, %ne3A_222 : i32
      %and3A_224 = arith.andi %ne3A_220, %ne3A_223 : i1
      %sub3A_225 = arith.constant 1 : i32
      %sub3A_226 = arith.subi %div3A_205, %sub3A_225 : i32
      %select_n3A_227 = arith.select %and3A_224, %sub3A_226, %div3A_205 : i32
      %jit3A_228 = arith.constant 8 : i32
      %eq3A_229 = arith.constant 0 : i32
      %eq3A_230 = arith.cmpi eq, %jit3A_228, %eq3A_229 : i32
      %jit3A_231 = arith.constant 1 : i32
      %select_n3A_232 = arith.select %eq3A_230, %jit3A_231, %jit3A_228 : i32
      %rem3A_233 = arith.remsi %add3A_203, %select_n3A_232 : i32
      %ne3A_234 = arith.constant 0 : i32
      %ne3A_235 = arith.cmpi ne, %rem3A_233, %ne3A_234 : i32
      %lt3A_236 = arith.constant 0 : i32
      %lt3A_237 = arith.cmpi slt, %rem3A_233, %lt3A_236 : i32
      %lt3A_238 = arith.constant 0 : i32
      %lt3A_239 = arith.cmpi slt, %select_n3A_232, %lt3A_238 : i32
      %ne3A_240 = arith.xori %lt3A_237, %lt3A_239 : i1
      %and3A_241 = arith.andi %ne3A_240, %ne3A_235 : i1
      %add3A_242 = arith.addi %rem3A_233, %select_n3A_232 : i32
      %select_n3A_243 = arith.select %and3A_241, %add3A_242, %rem3A_233 : i32
      %dma_wait3A_244 = arith.constant 1 : i32
      %dma_wait3A_245 = arith.constant 1 : i32
      %dma_wait3A_246 = arith.constant 0 : i32
      %dma_wait3A_247 = arith.constant 0 : i32
      %dma_wait3A_248 = tpu.memref_slice %arg6[%dma_wait3A_244, %dma_wait3A_246, %dma_wait3A_247] : memref<4x128x64xf32, #tpu.memory_space<vmem>> -> memref<1x128x64xf32, #tpu.memory_space<vmem>>
      %dma_wait3A_249 = tpu.memref_squeeze %dma_wait3A_248 : memref<1x128x64xf32, #tpu.memory_space<vmem>> -> memref<128x64xf32, #tpu.memory_space<vmem>>
      %dma_wait3A_250 = arith.constant 0 : i32
      %dma_wait3A_251 = tpu.memref_slice %arg5[%select_n3A_227, %select_n3A_243, %dma_wait3A_250] : memref<25x8x128xi32, #tpu.memory_space<vmem>> -> memref<1x1x128xi32, #tpu.memory_space<vmem>>
      %dma_wait3A_252 = tpu.memref_squeeze %dma_wait3A_251 : memref<1x1x128xi32, #tpu.memory_space<vmem>> -> memref<128xi32, #tpu.memory_space<vmem>>
      %dma_wait3A_253 = arith.constant 0 : i32
      %dma_wait3A_254 = arith.constant 0 : i32
      %dma_wait3A_255 = tpu.memref_slice %arg3[%dma_wait3A_253, %dma_wait3A_254] : memref<1000000x64xf32, #tpu.memory_space<hbm>> -> memref<1000000x64xf32, #tpu.memory_space<hbm>>
      %dma_wait3A_256 = tpu.memref_slice %arg8[%dma_wait3A_245] : memref<4x!tpu.dma_semaphore, #tpu.memory_space<semaphore_mem>> -> memref<1x!tpu.dma_semaphore, #tpu.memory_space<semaphore_mem>>
      %dma_wait3A_257 = tpu.memref_squeeze %dma_wait3A_256 : memref<1x!tpu.dma_semaphore, #tpu.memory_space<semaphore_mem>> -> memref<!tpu.dma_semaphore, #tpu.memory_space<semaphore_mem>>
      tpu.wait_indirect_dma semaphore(%dma_wait3A_257 : memref<!tpu.dma_semaphore, #tpu.memory_space<semaphore_mem>>) src(%dma_wait3A_255 : memref<1000000x64xf32, #tpu.memory_space<hbm>>) dst(%dma_wait3A_249 : memref<128x64xf32, #tpu.memory_space<vmem>>)
      %gt3A_258 = arith.constant 0 : i32
      %gt3A_259 = arith.cmpi sgt, %scan3A_118, %gt3A_258 : i32
      %convert_element_type3A_260 = arith.extui %gt3A_259 : i1 to i32
      %cond3A_261 = arith.constant 0 : i32
      %cond3A_262 = arith.cmpi ne, %convert_element_type3A_260, %cond3A_261 : i32
      scf.if %cond3A_262 {
        %dma_wait3A_523 = arith.constant 1 : i32
        %dma_wait3A_524 = arith.constant 1 : i32
        %dma_wait3A_525 = arith.constant 0 : i32
        %dma_wait3A_526 = arith.constant 0 : i32
        %dma_wait3A_527 = arith.constant 0 : i32
        %dma_wait3A_528 = tpu.memref_slice %arg7[%dma_wait3A_523, %dma_wait3A_525, %dma_wait3A_526, %dma_wait3A_527] : memref<2x8x8x128xf32, #tpu.memory_space<vmem>> -> memref<1x8x8x128xf32, #tpu.memory_space<vmem>>
        %dma_wait3A_529 = tpu.memref_squeeze %dma_wait3A_528 : memref<1x8x8x128xf32, #tpu.memory_space<vmem>> -> memref<8x8x128xf32, #tpu.memory_space<vmem>>
        %dma_wait3A_530 = arith.constant 0 : i32
        %dma_wait3A_531 = arith.constant 0 : i32
        %dma_wait3A_532 = arith.constant 0 : i32
        %dma_wait3A_533 = tpu.memref_slice %arg4[%add3A_203, %dma_wait3A_530, %add3A, %dma_wait3A_531, %dma_wait3A_532] : memref<200x8x32x8x128xf32, #tpu.memory_space<hbm>> -> memref<1x8x1x8x128xf32, #tpu.memory_space<hbm>>
        %dma_wait3A_534 = tpu.memref_squeeze %dma_wait3A_533 : memref<1x8x1x8x128xf32, #tpu.memory_space<hbm>> -> memref<8x8x128xf32, #tpu.memory_space<hbm>>
        %dma_wait3A_535 = tpu.memref_slice %arg9[%dma_wait3A_524] : memref<2x!tpu.dma_semaphore, #tpu.memory_space<semaphore_mem>> -> memref<1x!tpu.dma_semaphore, #tpu.memory_space<semaphore_mem>>
        %dma_wait3A_536 = tpu.memref_squeeze %dma_wait3A_535 : memref<1x!tpu.dma_semaphore, #tpu.memory_space<semaphore_mem>> -> memref<!tpu.dma_semaphore, #tpu.memory_space<semaphore_mem>>
        %dma_wait3A_537 = arith.constant 0 : i32
        %dma_wait3A_538 = arith.constant 0 : i32
        %dma_wait3A_539 = arith.constant 0 : i32
        %dma_wait3A_540 = tpu.memref_slice %arg4[%add3A_203, %dma_wait3A_537, %add3A, %dma_wait3A_538, %dma_wait3A_539] : memref<200x8x32x8x128xf32, #tpu.memory_space<hbm>> -> memref<1x8x1x8x128xf32, #tpu.memory_space<hbm>>
        %dma_wait3A_541 = tpu.memref_squeeze %dma_wait3A_540 : memref<1x8x1x8x128xf32, #tpu.memory_space<hbm>> -> memref<8x8x128xf32, #tpu.memory_space<hbm>>
        %dma_wait3A_542 = arith.constant 0 : i32
        %dma_wait3A_543 = arith.constant 0 : i32
        %dma_wait3A_544 = arith.constant 0 : i32
        %dma_wait3A_545 = tpu.memref_slice %arg7[%dma_wait3A_523, %dma_wait3A_542, %dma_wait3A_543, %dma_wait3A_544] : memref<2x8x8x128xf32, #tpu.memory_space<vmem>> -> memref<1x8x8x128xf32, #tpu.memory_space<vmem>>
        %dma_wait3A_546 = tpu.memref_squeeze %dma_wait3A_545 : memref<1x8x8x128xf32, #tpu.memory_space<vmem>> -> memref<8x8x128xf32, #tpu.memory_space<vmem>>
        tpu.wait_dma2 semaphore(%dma_wait3A_536 : memref<!tpu.dma_semaphore, #tpu.memory_space<semaphore_mem>>) src(%dma_wait3A_546 : memref<8x8x128xf32, #tpu.memory_space<vmem>>) dst(%dma_wait3A_541 : memref<8x8x128xf32, #tpu.memory_space<hbm>>)
      } else {
      }
      %parallel_loop3A_263 = arith.constant 0 : i32
      %parallel_loop3A_264 = arith.constant 512 : i32
      %parallel_loop3A_265 = arith.constant 1 : i32
      scf.for %parallel_loop3A_523 = %parallel_loop3A_263 to %parallel_loop3A_264 step %parallel_loop3A_265  : i32 {
        %parallel_loop3A_524 = arith.constant 3 : i32
        %parallel_loop3A_525 = arith.shrsi %parallel_loop3A_523, %parallel_loop3A_524 : i32
        %parallel_loop3A_526 = arith.constant 7 : i32
        %parallel_loop3A_527 = arith.andi %parallel_loop3A_523, %parallel_loop3A_526 : i32
        %parallel_loop3A_528 = arith.constant 16 : i32
        %parallel_loop3A_529 = arith.muli %parallel_loop3A_527, %parallel_loop3A_528 : i32
        %parallel_loop3A_530 = vector.broadcast %parallel_loop3A_529 : i32 to vector<16xi32>
        %parallel_loop3A_531 = arith.addi %parallel_loop3A_530, %iota3A : vector<16xi32>
        %parallel_loop3A_532 = vector.broadcast %parallel_loop3A_525 : i32 to vector<16xi32>
        %parallel_loop3A_533 = arith.addi %parallel_loop3A_532, %iota3A : vector<16xi32>
        %parallel_loop3A_534 = arith.constant 63 : i32
        %parallel_loop3A_535 = vector.broadcast %parallel_loop3A_534 : i32 to vector<16xi32>
        %parallel_loop3A_536 = arith.andi %parallel_loop3A_533, %parallel_loop3A_535 : vector<16xi32>
        %parallel_loop3A_537 = arith.constant 1 : i32
        %parallel_loop3A_538 = arith.constant 0 : i32
        %parallel_loop3A_539 = arith.constant 0 : i32
        %parallel_loop3A_540 = tpu.memref_slice %arg6[%parallel_loop3A_537, %parallel_loop3A_538, %parallel_loop3A_539] : memref<4x128x64xf32, #tpu.memory_space<vmem>> -> memref<1x128x64xf32, #tpu.memory_space<vmem>>
        %parallel_loop3A_541 = tpu.memref_squeeze %parallel_loop3A_540 : memref<1x128x64xf32, #tpu.memory_space<vmem>> -> memref<128x64xf32, #tpu.memory_space<vmem>>
        %parallel_loop3A_542 = tpu.vector_load_idx %parallel_loop3A_541[%parallel_loop3A_531, %parallel_loop3A_536] : memref<128x64xf32, #tpu.memory_space<vmem>>[vector<16xi32>, vector<16xi32>], vector<16xf32>,
        %parallel_loop3A_543 = arith.constant 3 : i32
        %parallel_loop3A_544 = vector.broadcast %parallel_loop3A_543 : i32 to vector<16xi32>
        %parallel_loop3A_545 = arith.shrsi %parallel_loop3A_536, %parallel_loop3A_544 : vector<16xi32>
        %parallel_loop3A_546 = arith.constant 7 : i32
        %parallel_loop3A_547 = vector.broadcast %parallel_loop3A_546 : i32 to vector<16xi32>
        %parallel_loop3A_548 = arith.andi %parallel_loop3A_536, %parallel_loop3A_547 : vector<16xi32>
        %parallel_loop3A_549 = arith.constant 8.000000e+00 : f32
        %parallel_loop3A_550 = vector.broadcast %parallel_loop3A_549 : f32 to vector<16xf32>
        %parallel_loop3A_551 = arith.mulf %parallel_loop3A_542, %parallel_loop3A_550 : vector<16xf32>
        %parallel_loop3A_552 = arith.constant 1 : i32
        %parallel_loop3A_553 = arith.constant 0 : i32
        %parallel_loop3A_554 = arith.constant 0 : i32
        %parallel_loop3A_555 = arith.constant 0 : i32
        %parallel_loop3A_556 = tpu.memref_slice %arg7[%parallel_loop3A_552, %parallel_loop3A_553, %parallel_loop3A_554, %parallel_loop3A_555] : memref<2x8x8x128xf32, #tpu.memory_space<vmem>> -> memref<1x8x8x128xf32, #tpu.memory_space<vmem>>
        %parallel_loop3A_557 = tpu.memref_squeeze %parallel_loop3A_556 : memref<1x8x8x128xf32, #tpu.memory_space<vmem>> -> memref<8x8x128xf32, #tpu.memory_space<vmem>>
        tpu.vector_store_idx %parallel_loop3A_557[%parallel_loop3A_545, %parallel_loop3A_548, %parallel_loop3A_531], %parallel_loop3A_551 : memref<8x8x128xf32, #tpu.memory_space<vmem>>[vector<16xi32>, vector<16xi32>, vector<16xi32>], vector<16xf32>,
      } {sc.loop_unroll_factor = 8 : i64, sc.parallel_access}
      %dma_start3A_266 = arith.constant 1 : i32
      %dma_start3A_267 = arith.constant 1 : i32
      %dma_start3A_268 = arith.constant 0 : i32
      %dma_start3A_269 = arith.constant 0 : i32
      %dma_start3A_270 = arith.constant 0 : i32
      %dma_start3A_271 = tpu.memref_slice %arg7[%dma_start3A_266, %dma_start3A_268, %dma_start3A_269, %dma_start3A_270] : memref<2x8x8x128xf32, #tpu.memory_space<vmem>> -> memref<1x8x8x128xf32, #tpu.memory_space<vmem>>
      %dma_start3A_272 = tpu.memref_squeeze %dma_start3A_271 : memref<1x8x8x128xf32, #tpu.memory_space<vmem>> -> memref<8x8x128xf32, #tpu.memory_space<vmem>>
      %dma_start3A_273 = arith.constant 0 : i32
      %dma_start3A_274 = arith.constant 0 : i32
      %dma_start3A_275 = arith.constant 0 : i32
      %dma_start3A_276 = tpu.memref_slice %arg4[%add3A_203, %dma_start3A_273, %add3A, %dma_start3A_274, %dma_start3A_275] : memref<200x8x32x8x128xf32, #tpu.memory_space<hbm>> -> memref<1x8x1x8x128xf32, #tpu.memory_space<hbm>>
      %dma_start3A_277 = tpu.memref_squeeze %dma_start3A_276 : memref<1x8x1x8x128xf32, #tpu.memory_space<hbm>> -> memref<8x8x128xf32, #tpu.memory_space<hbm>>
      %dma_start3A_278 = tpu.memref_slice %arg9[%dma_start3A_267] : memref<2x!tpu.dma_semaphore, #tpu.memory_space<semaphore_mem>> -> memref<1x!tpu.dma_semaphore, #tpu.memory_space<semaphore_mem>>
      %dma_start3A_279 = tpu.memref_squeeze %dma_start3A_278 : memref<1x!tpu.dma_semaphore, #tpu.memory_space<semaphore_mem>> -> memref<!tpu.dma_semaphore, #tpu.memory_space<semaphore_mem>>
      %dma_start3A_280 = arith.constant 0 : i32
      %dma_start3A_281 = arith.constant 0 : i32
      %dma_start3A_282 = arith.constant 0 : i32
      %dma_start3A_283 = tpu.memref_slice %arg4[%add3A_203, %dma_start3A_280, %add3A, %dma_start3A_281, %dma_start3A_282] : memref<200x8x32x8x128xf32, #tpu.memory_space<hbm>> -> memref<1x8x1x8x128xf32, #tpu.memory_space<hbm>>
      %dma_start3A_284 = tpu.memref_squeeze %dma_start3A_283 : memref<1x8x1x8x128xf32, #tpu.memory_space<hbm>> -> memref<8x8x128xf32, #tpu.memory_space<hbm>>
      %dma_start3A_285 = arith.constant 0 : i32
      %dma_start3A_286 = arith.constant 0 : i32
      %dma_start3A_287 = arith.constant 0 : i32
      %dma_start3A_288 = tpu.memref_slice %arg7[%dma_start3A_266, %dma_start3A_285, %dma_start3A_286, %dma_start3A_287] : memref<2x8x8x128xf32, #tpu.memory_space<vmem>> -> memref<1x8x8x128xf32, #tpu.memory_space<vmem>>
      %dma_start3A_289 = tpu.memref_squeeze %dma_start3A_288 : memref<1x8x8x128xf32, #tpu.memory_space<vmem>> -> memref<8x8x128xf32, #tpu.memory_space<vmem>>
      tpu.enqueue_dma source(%dma_start3A_289 : memref<8x8x128xf32, #tpu.memory_space<vmem>>) target(%dma_start3A_284 : memref<8x8x128xf32, #tpu.memory_space<hbm>>) target_semaphore(%dma_start3A_279 : memref<!tpu.dma_semaphore, #tpu.memory_space<semaphore_mem>>)
      %lt3A_290 = arith.constant 49 : i32
      %lt3A_291 = arith.cmpi slt, %scan3A_118, %lt3A_290 : i32
      %convert_element_type3A_292 = arith.extui %lt3A_291 : i1 to i32
      %cond3A_293 = arith.constant 0 : i32
      %cond3A_294 = arith.cmpi ne, %convert_element_type3A_292, %cond3A_293 : i32
      scf.if %cond3A_294 {
        %add3A_523 = arith.constant 4 : i32
        %add3A_524 = arith.addi %add3A_203, %add3A_523 : i32
        %jit3A_525 = arith.constant 8 : i32
        %div3A_526 = arith.divsi %add3A_524, %jit3A_525 : i32
        %sign3A_527 = arith.constant 0 : i32
        %sign3A_528 = arith.cmpi sgt, %add3A_524, %sign3A_527 : i32
        %sign3A_529 = arith.extui %sign3A_528 : i1 to i32
        %sign3A_530 = arith.constant 0 : i32
        %sign3A_531 = arith.cmpi slt, %add3A_524, %sign3A_530 : i32
        %sign3A_532 = arith.extui %sign3A_531 : i1 to i32
        %sign3A_533 = arith.subi %sign3A_529, %sign3A_532 : i32
        %sign3A_534 = arith.constant 0 : i32
        %sign3A_535 = arith.cmpi sgt, %jit3A_525, %sign3A_534 : i32
        %sign3A_536 = arith.extui %sign3A_535 : i1 to i32
        %sign3A_537 = arith.constant 0 : i32
        %sign3A_538 = arith.cmpi slt, %jit3A_525, %sign3A_537 : i32
        %sign3A_539 = arith.extui %sign3A_538 : i1 to i32
        %sign3A_540 = arith.subi %sign3A_536, %sign3A_539 : i32
        %ne3A_541 = arith.cmpi ne, %sign3A_533, %sign3A_540 : i32
        %rem3A_542 = arith.remsi %add3A_524, %jit3A_525 : i32
        %ne3A_543 = arith.constant 0 : i32
        %ne3A_544 = arith.cmpi ne, %rem3A_542, %ne3A_543 : i32
        %and3A_545 = arith.andi %ne3A_541, %ne3A_544 : i1
        %sub3A_546 = arith.constant 1 : i32
        %sub3A_547 = arith.subi %div3A_526, %sub3A_546 : i32
        %select_n3A_548 = arith.select %and3A_545, %sub3A_547, %div3A_526 : i32
        %jit3A_549 = arith.constant 8 : i32
        %eq3A_550 = arith.constant 0 : i32
        %eq3A_551 = arith.cmpi eq, %jit3A_549, %eq3A_550 : i32
        %jit3A_552 = arith.constant 1 : i32
        %select_n3A_553 = arith.select %eq3A_551, %jit3A_552, %jit3A_549 : i32
        %rem3A_554 = arith.remsi %add3A_524, %select_n3A_553 : i32
        %ne3A_555 = arith.constant 0 : i32
        %ne3A_556 = arith.cmpi ne, %rem3A_554, %ne3A_555 : i32
        %lt3A_557 = arith.constant 0 : i32
        %lt3A_558 = arith.cmpi slt, %rem3A_554, %lt3A_557 : i32
        %lt3A_559 = arith.constant 0 : i32
        %lt3A_560 = arith.cmpi slt, %select_n3A_553, %lt3A_559 : i32
        %ne3A_561 = arith.xori %lt3A_558, %lt3A_560 : i1
        %and3A_562 = arith.andi %ne3A_561, %ne3A_556 : i1
        %add3A_563 = arith.addi %rem3A_554, %select_n3A_553 : i32
        %select_n3A_564 = arith.select %and3A_562, %add3A_563, %rem3A_554 : i32
        %dma_start3A_565 = arith.constant 1 : i32
        %dma_start3A_566 = arith.constant 1 : i32
        %dma_start3A_567 = arith.constant 0 : i32
        %dma_start3A_568 = arith.constant 0 : i32
        %dma_start3A_569 = tpu.memref_slice %arg6[%dma_start3A_565, %dma_start3A_567, %dma_start3A_568] : memref<4x128x64xf32, #tpu.memory_space<vmem>> -> memref<1x128x64xf32, #tpu.memory_space<vmem>>
        %dma_start3A_570 = tpu.memref_squeeze %dma_start3A_569 : memref<1x128x64xf32, #tpu.memory_space<vmem>> -> memref<128x64xf32, #tpu.memory_space<vmem>>
        %dma_start3A_571 = arith.constant 0 : i32
        %dma_start3A_572 = tpu.memref_slice %arg5[%select_n3A_548, %select_n3A_564, %dma_start3A_571] : memref<25x8x128xi32, #tpu.memory_space<vmem>> -> memref<1x1x128xi32, #tpu.memory_space<vmem>>
        %dma_start3A_573 = tpu.memref_squeeze %dma_start3A_572 : memref<1x1x128xi32, #tpu.memory_space<vmem>> -> memref<128xi32, #tpu.memory_space<vmem>>
        %dma_start3A_574 = arith.constant 0 : i32
        %dma_start3A_575 = arith.constant 0 : i32
        %dma_start3A_576 = tpu.memref_slice %arg3[%dma_start3A_574, %dma_start3A_575] : memref<1000000x64xf32, #tpu.memory_space<hbm>> -> memref<1000000x64xf32, #tpu.memory_space<hbm>>
        %dma_start3A_577 = tpu.memref_slice %arg8[%dma_start3A_566] : memref<4x!tpu.dma_semaphore, #tpu.memory_space<semaphore_mem>> -> memref<1x!tpu.dma_semaphore, #tpu.memory_space<semaphore_mem>>
        %dma_start3A_578 = tpu.memref_squeeze %dma_start3A_577 : memref<1x!tpu.dma_semaphore, #tpu.memory_space<semaphore_mem>> -> memref<!tpu.dma_semaphore, #tpu.memory_space<semaphore_mem>>
        tpu.enqueue_indirect_dma source(%dma_start3A_576 : memref<1000000x64xf32, #tpu.memory_space<hbm>>) target(%dma_start3A_570 : memref<128x64xf32, #tpu.memory_space<vmem>>) offsets(%dma_start3A_573 : memref<128xi32, #tpu.memory_space<vmem>>) semaphore(%dma_start3A_578 : memref<!tpu.dma_semaphore, #tpu.memory_space<semaphore_mem>>)
      } else {
      }
      %mul3A_295 = arith.constant 4 : i32
      %mul3A_296 = arith.muli %scan3A_118, %mul3A_295 : i32
      %add3A_297 = arith.constant 2 : i32
      %add3A_298 = arith.addi %mul3A_296, %add3A_297 : i32
      %jit3A_299 = arith.constant 8 : i32
      %div3A_300 = arith.divsi %add3A_298, %jit3A_299 : i32
      %sign3A_301 = arith.constant 0 : i32
      %sign3A_302 = arith.cmpi sgt, %add3A_298, %sign3A_301 : i32
      %sign3A_303 = arith.extui %sign3A_302 : i1 to i32
      %sign3A_304 = arith.constant 0 : i32
      %sign3A_305 = arith.cmpi slt, %add3A_298, %sign3A_304 : i32
      %sign3A_306 = arith.extui %sign3A_305 : i1 to i32
      %sign3A_307 = arith.subi %sign3A_303, %sign3A_306 : i32
      %sign3A_308 = arith.constant 0 : i32
      %sign3A_309 = arith.cmpi sgt, %jit3A_299, %sign3A_308 : i32
      %sign3A_310 = arith.extui %sign3A_309 : i1 to i32
      %sign3A_311 = arith.constant 0 : i32
      %sign3A_312 = arith.cmpi slt, %jit3A_299, %sign3A_311 : i32
      %sign3A_313 = arith.extui %sign3A_312 : i1 to i32
      %sign3A_314 = arith.subi %sign3A_310, %sign3A_313 : i32
      %ne3A_315 = arith.cmpi ne, %sign3A_307, %sign3A_314 : i32
      %rem3A_316 = arith.remsi %add3A_298, %jit3A_299 : i32
      %ne3A_317 = arith.constant 0 : i32
      %ne3A_318 = arith.cmpi ne, %rem3A_316, %ne3A_317 : i32
      %and3A_319 = arith.andi %ne3A_315, %ne3A_318 : i1
      %sub3A_320 = arith.constant 1 : i32
      %sub3A_321 = arith.subi %div3A_300, %sub3A_320 : i32
      %select_n3A_322 = arith.select %and3A_319, %sub3A_321, %div3A_300 : i32
      %jit3A_323 = arith.constant 8 : i32
      %eq3A_324 = arith.constant 0 : i32
      %eq3A_325 = arith.cmpi eq, %jit3A_323, %eq3A_324 : i32
      %jit3A_326 = arith.constant 1 : i32
      %select_n3A_327 = arith.select %eq3A_325, %jit3A_326, %jit3A_323 : i32
      %rem3A_328 = arith.remsi %add3A_298, %select_n3A_327 : i32
      %ne3A_329 = arith.constant 0 : i32
      %ne3A_330 = arith.cmpi ne, %rem3A_328, %ne3A_329 : i32
      %lt3A_331 = arith.constant 0 : i32
      %lt3A_332 = arith.cmpi slt, %rem3A_328, %lt3A_331 : i32
      %lt3A_333 = arith.constant 0 : i32
      %lt3A_334 = arith.cmpi slt, %select_n3A_327, %lt3A_333 : i32
      %ne3A_335 = arith.xori %lt3A_332, %lt3A_334 : i1
      %and3A_336 = arith.andi %ne3A_335, %ne3A_330 : i1
      %add3A_337 = arith.addi %rem3A_328, %select_n3A_327 : i32
      %select_n3A_338 = arith.select %and3A_336, %add3A_337, %rem3A_328 : i32
      %dma_wait3A_339 = arith.constant 2 : i32
      %dma_wait3A_340 = arith.constant 2 : i32
      %dma_wait3A_341 = arith.constant 0 : i32
      %dma_wait3A_342 = arith.constant 0 : i32
      %dma_wait3A_343 = tpu.memref_slice %arg6[%dma_wait3A_339, %dma_wait3A_341, %dma_wait3A_342] : memref<4x128x64xf32, #tpu.memory_space<vmem>> -> memref<1x128x64xf32, #tpu.memory_space<vmem>>
      %dma_wait3A_344 = tpu.memref_squeeze %dma_wait3A_343 : memref<1x128x64xf32, #tpu.memory_space<vmem>> -> memref<128x64xf32, #tpu.memory_space<vmem>>
      %dma_wait3A_345 = arith.constant 0 : i32
      %dma_wait3A_346 = tpu.memref_slice %arg5[%select_n3A_322, %select_n3A_338, %dma_wait3A_345] : memref<25x8x128xi32, #tpu.memory_space<vmem>> -> memref<1x1x128xi32, #tpu.memory_space<vmem>>
      %dma_wait3A_347 = tpu.memref_squeeze %dma_wait3A_346 : memref<1x1x128xi32, #tpu.memory_space<vmem>> -> memref<128xi32, #tpu.memory_space<vmem>>
      %dma_wait3A_348 = arith.constant 0 : i32
      %dma_wait3A_349 = arith.constant 0 : i32
      %dma_wait3A_350 = tpu.memref_slice %arg3[%dma_wait3A_348, %dma_wait3A_349] : memref<1000000x64xf32, #tpu.memory_space<hbm>> -> memref<1000000x64xf32, #tpu.memory_space<hbm>>
      %dma_wait3A_351 = tpu.memref_slice %arg8[%dma_wait3A_340] : memref<4x!tpu.dma_semaphore, #tpu.memory_space<semaphore_mem>> -> memref<1x!tpu.dma_semaphore, #tpu.memory_space<semaphore_mem>>
      %dma_wait3A_352 = tpu.memref_squeeze %dma_wait3A_351 : memref<1x!tpu.dma_semaphore, #tpu.memory_space<semaphore_mem>> -> memref<!tpu.dma_semaphore, #tpu.memory_space<semaphore_mem>>
      tpu.wait_indirect_dma semaphore(%dma_wait3A_352 : memref<!tpu.dma_semaphore, #tpu.memory_space<semaphore_mem>>) src(%dma_wait3A_350 : memref<1000000x64xf32, #tpu.memory_space<hbm>>) dst(%dma_wait3A_344 : memref<128x64xf32, #tpu.memory_space<vmem>>)
      %dma_wait3A_353 = arith.constant 0 : i32
      %dma_wait3A_354 = arith.constant 0 : i32
      %dma_wait3A_355 = arith.constant 0 : i32
      %dma_wait3A_356 = arith.constant 0 : i32
      %dma_wait3A_357 = arith.constant 0 : i32
      %dma_wait3A_358 = tpu.memref_slice %arg7[%dma_wait3A_353, %dma_wait3A_355, %dma_wait3A_356, %dma_wait3A_357] : memref<2x8x8x128xf32, #tpu.memory_space<vmem>> -> memref<1x8x8x128xf32, #tpu.memory_space<vmem>>
      %dma_wait3A_359 = tpu.memref_squeeze %dma_wait3A_358 : memref<1x8x8x128xf32, #tpu.memory_space<vmem>> -> memref<8x8x128xf32, #tpu.memory_space<vmem>>
      %dma_wait3A_360 = arith.constant 0 : i32
      %dma_wait3A_361 = arith.constant 0 : i32
      %dma_wait3A_362 = arith.constant 0 : i32
      %dma_wait3A_363 = tpu.memref_slice %arg4[%add3A_298, %dma_wait3A_360, %add3A, %dma_wait3A_361, %dma_wait3A_362] : memref<200x8x32x8x128xf32, #tpu.memory_space<hbm>> -> memref<1x8x1x8x128xf32, #tpu.memory_space<hbm>>
      %dma_wait3A_364 = tpu.memref_squeeze %dma_wait3A_363 : memref<1x8x1x8x128xf32, #tpu.memory_space<hbm>> -> memref<8x8x128xf32, #tpu.memory_space<hbm>>
      %dma_wait3A_365 = tpu.memref_slice %arg9[%dma_wait3A_354] : memref<2x!tpu.dma_semaphore, #tpu.memory_space<semaphore_mem>> -> memref<1x!tpu.dma_semaphore, #tpu.memory_space<semaphore_mem>>
      %dma_wait3A_366 = tpu.memref_squeeze %dma_wait3A_365 : memref<1x!tpu.dma_semaphore, #tpu.memory_space<semaphore_mem>> -> memref<!tpu.dma_semaphore, #tpu.memory_space<semaphore_mem>>
      %dma_wait3A_367 = arith.constant 0 : i32
      %dma_wait3A_368 = arith.constant 0 : i32
      %dma_wait3A_369 = arith.constant 0 : i32
      %dma_wait3A_370 = tpu.memref_slice %arg4[%add3A_298, %dma_wait3A_367, %add3A, %dma_wait3A_368, %dma_wait3A_369] : memref<200x8x32x8x128xf32, #tpu.memory_space<hbm>> -> memref<1x8x1x8x128xf32, #tpu.memory_space<hbm>>
      %dma_wait3A_371 = tpu.memref_squeeze %dma_wait3A_370 : memref<1x8x1x8x128xf32, #tpu.memory_space<hbm>> -> memref<8x8x128xf32, #tpu.memory_space<hbm>>
      %dma_wait3A_372 = arith.constant 0 : i32
      %dma_wait3A_373 = arith.constant 0 : i32
      %dma_wait3A_374 = arith.constant 0 : i32
      %dma_wait3A_375 = tpu.memref_slice %arg7[%dma_wait3A_353, %dma_wait3A_372, %dma_wait3A_373, %dma_wait3A_374] : memref<2x8x8x128xf32, #tpu.memory_space<vmem>> -> memref<1x8x8x128xf32, #tpu.memory_space<vmem>>
      %dma_wait3A_376 = tpu.memref_squeeze %dma_wait3A_375 : memref<1x8x8x128xf32, #tpu.memory_space<vmem>> -> memref<8x8x128xf32, #tpu.memory_space<vmem>>
      tpu.wait_dma2 semaphore(%dma_wait3A_366 : memref<!tpu.dma_semaphore, #tpu.memory_space<semaphore_mem>>) src(%dma_wait3A_376 : memref<8x8x128xf32, #tpu.memory_space<vmem>>) dst(%dma_wait3A_371 : memref<8x8x128xf32, #tpu.memory_space<hbm>>)
      %parallel_loop3A_377 = arith.constant 0 : i32
      %parallel_loop3A_378 = arith.constant 512 : i32
      %parallel_loop3A_379 = arith.constant 1 : i32
      scf.for %parallel_loop3A_523 = %parallel_loop3A_377 to %parallel_loop3A_378 step %parallel_loop3A_379  : i32 {
        %parallel_loop3A_524 = arith.constant 3 : i32
        %parallel_loop3A_525 = arith.shrsi %parallel_loop3A_523, %parallel_loop3A_524 : i32
        %parallel_loop3A_526 = arith.constant 7 : i32
        %parallel_loop3A_527 = arith.andi %parallel_loop3A_523, %parallel_loop3A_526 : i32
        %parallel_loop3A_528 = arith.constant 16 : i32
        %parallel_loop3A_529 = arith.muli %parallel_loop3A_527, %parallel_loop3A_528 : i32
        %parallel_loop3A_530 = vector.broadcast %parallel_loop3A_529 : i32 to vector<16xi32>
        %parallel_loop3A_531 = arith.addi %parallel_loop3A_530, %iota3A : vector<16xi32>
        %parallel_loop3A_532 = vector.broadcast %parallel_loop3A_525 : i32 to vector<16xi32>
        %parallel_loop3A_533 = arith.addi %parallel_loop3A_532, %iota3A : vector<16xi32>
        %parallel_loop3A_534 = arith.constant 63 : i32
        %parallel_loop3A_535 = vector.broadcast %parallel_loop3A_534 : i32 to vector<16xi32>
        %parallel_loop3A_536 = arith.andi %parallel_loop3A_533, %parallel_loop3A_535 : vector<16xi32>
        %parallel_loop3A_537 = arith.constant 2 : i32
        %parallel_loop3A_538 = arith.constant 0 : i32
        %parallel_loop3A_539 = arith.constant 0 : i32
        %parallel_loop3A_540 = tpu.memref_slice %arg6[%parallel_loop3A_537, %parallel_loop3A_538, %parallel_loop3A_539] : memref<4x128x64xf32, #tpu.memory_space<vmem>> -> memref<1x128x64xf32, #tpu.memory_space<vmem>>
        %parallel_loop3A_541 = tpu.memref_squeeze %parallel_loop3A_540 : memref<1x128x64xf32, #tpu.memory_space<vmem>> -> memref<128x64xf32, #tpu.memory_space<vmem>>
        %parallel_loop3A_542 = tpu.vector_load_idx %parallel_loop3A_541[%parallel_loop3A_531, %parallel_loop3A_536] : memref<128x64xf32, #tpu.memory_space<vmem>>[vector<16xi32>, vector<16xi32>], vector<16xf32>,
        %parallel_loop3A_543 = arith.constant 3 : i32
        %parallel_loop3A_544 = vector.broadcast %parallel_loop3A_543 : i32 to vector<16xi32>
        %parallel_loop3A_545 = arith.shrsi %parallel_loop3A_536, %parallel_loop3A_544 : vector<16xi32>
        %parallel_loop3A_546 = arith.constant 7 : i32
        %parallel_loop3A_547 = vector.broadcast %parallel_loop3A_546 : i32 to vector<16xi32>
        %parallel_loop3A_548 = arith.andi %parallel_loop3A_536, %parallel_loop3A_547 : vector<16xi32>
        %parallel_loop3A_549 = arith.constant 8.000000e+00 : f32
        %parallel_loop3A_550 = vector.broadcast %parallel_loop3A_549 : f32 to vector<16xf32>
        %parallel_loop3A_551 = arith.mulf %parallel_loop3A_542, %parallel_loop3A_550 : vector<16xf32>
        %parallel_loop3A_552 = arith.constant 0 : i32
        %parallel_loop3A_553 = arith.constant 0 : i32
        %parallel_loop3A_554 = arith.constant 0 : i32
        %parallel_loop3A_555 = arith.constant 0 : i32
        %parallel_loop3A_556 = tpu.memref_slice %arg7[%parallel_loop3A_552, %parallel_loop3A_553, %parallel_loop3A_554, %parallel_loop3A_555] : memref<2x8x8x128xf32, #tpu.memory_space<vmem>> -> memref<1x8x8x128xf32, #tpu.memory_space<vmem>>
        %parallel_loop3A_557 = tpu.memref_squeeze %parallel_loop3A_556 : memref<1x8x8x128xf32, #tpu.memory_space<vmem>> -> memref<8x8x128xf32, #tpu.memory_space<vmem>>
        tpu.vector_store_idx %parallel_loop3A_557[%parallel_loop3A_545, %parallel_loop3A_548, %parallel_loop3A_531], %parallel_loop3A_551 : memref<8x8x128xf32, #tpu.memory_space<vmem>>[vector<16xi32>, vector<16xi32>, vector<16xi32>], vector<16xf32>,
      } {sc.loop_unroll_factor = 8 : i64, sc.parallel_access}
      %dma_start3A_380 = arith.constant 0 : i32
      %dma_start3A_381 = arith.constant 0 : i32
      %dma_start3A_382 = arith.constant 0 : i32
      %dma_start3A_383 = arith.constant 0 : i32
      %dma_start3A_384 = arith.constant 0 : i32
      %dma_start3A_385 = tpu.memref_slice %arg7[%dma_start3A_380, %dma_start3A_382, %dma_start3A_383, %dma_start3A_384] : memref<2x8x8x128xf32, #tpu.memory_space<vmem>> -> memref<1x8x8x128xf32, #tpu.memory_space<vmem>>
      %dma_start3A_386 = tpu.memref_squeeze %dma_start3A_385 : memref<1x8x8x128xf32, #tpu.memory_space<vmem>> -> memref<8x8x128xf32, #tpu.memory_space<vmem>>
      %dma_start3A_387 = arith.constant 0 : i32
      %dma_start3A_388 = arith.constant 0 : i32
      %dma_start3A_389 = arith.constant 0 : i32
      %dma_start3A_390 = tpu.memref_slice %arg4[%add3A_298, %dma_start3A_387, %add3A, %dma_start3A_388, %dma_start3A_389] : memref<200x8x32x8x128xf32, #tpu.memory_space<hbm>> -> memref<1x8x1x8x128xf32, #tpu.memory_space<hbm>>
      %dma_start3A_391 = tpu.memref_squeeze %dma_start3A_390 : memref<1x8x1x8x128xf32, #tpu.memory_space<hbm>> -> memref<8x8x128xf32, #tpu.memory_space<hbm>>
      %dma_start3A_392 = tpu.memref_slice %arg9[%dma_start3A_381] : memref<2x!tpu.dma_semaphore, #tpu.memory_space<semaphore_mem>> -> memref<1x!tpu.dma_semaphore, #tpu.memory_space<semaphore_mem>>
      %dma_start3A_393 = tpu.memref_squeeze %dma_start3A_392 : memref<1x!tpu.dma_semaphore, #tpu.memory_space<semaphore_mem>> -> memref<!tpu.dma_semaphore, #tpu.memory_space<semaphore_mem>>
      %dma_start3A_394 = arith.constant 0 : i32
      %dma_start3A_395 = arith.constant 0 : i32
      %dma_start3A_396 = arith.constant 0 : i32
      %dma_start3A_397 = tpu.memref_slice %arg4[%add3A_298, %dma_start3A_394, %add3A, %dma_start3A_395, %dma_start3A_396] : memref<200x8x32x8x128xf32, #tpu.memory_space<hbm>> -> memref<1x8x1x8x128xf32, #tpu.memory_space<hbm>>
      %dma_start3A_398 = tpu.memref_squeeze %dma_start3A_397 : memref<1x8x1x8x128xf32, #tpu.memory_space<hbm>> -> memref<8x8x128xf32, #tpu.memory_space<hbm>>
      %dma_start3A_399 = arith.constant 0 : i32
      %dma_start3A_400 = arith.constant 0 : i32
      %dma_start3A_401 = arith.constant 0 : i32
      %dma_start3A_402 = tpu.memref_slice %arg7[%dma_start3A_380, %dma_start3A_399, %dma_start3A_400, %dma_start3A_401] : memref<2x8x8x128xf32, #tpu.memory_space<vmem>> -> memref<1x8x8x128xf32, #tpu.memory_space<vmem>>
      %dma_start3A_403 = tpu.memref_squeeze %dma_start3A_402 : memref<1x8x8x128xf32, #tpu.memory_space<vmem>> -> memref<8x8x128xf32, #tpu.memory_space<vmem>>
      tpu.enqueue_dma source(%dma_start3A_403 : memref<8x8x128xf32, #tpu.memory_space<vmem>>) target(%dma_start3A_398 : memref<8x8x128xf32, #tpu.memory_space<hbm>>) target_semaphore(%dma_start3A_393 : memref<!tpu.dma_semaphore, #tpu.memory_space<semaphore_mem>>)
      %lt3A_404 = arith.constant 49 : i32
      %lt3A_405 = arith.cmpi slt, %scan3A_118, %lt3A_404 : i32
      %convert_element_type3A_406 = arith.extui %lt3A_405 : i1 to i32
      %cond3A_407 = arith.constant 0 : i32
      %cond3A_408 = arith.cmpi ne, %convert_element_type3A_406, %cond3A_407 : i32
      scf.if %cond3A_408 {
        %add3A_523 = arith.constant 4 : i32
        %add3A_524 = arith.addi %add3A_298, %add3A_523 : i32
        %jit3A_525 = arith.constant 8 : i32
        %div3A_526 = arith.divsi %add3A_524, %jit3A_525 : i32
        %sign3A_527 = arith.constant 0 : i32
        %sign3A_528 = arith.cmpi sgt, %add3A_524, %sign3A_527 : i32
        %sign3A_529 = arith.extui %sign3A_528 : i1 to i32
        %sign3A_530 = arith.constant 0 : i32
        %sign3A_531 = arith.cmpi slt, %add3A_524, %sign3A_530 : i32
        %sign3A_532 = arith.extui %sign3A_531 : i1 to i32
        %sign3A_533 = arith.subi %sign3A_529, %sign3A_532 : i32
        %sign3A_534 = arith.constant 0 : i32
        %sign3A_535 = arith.cmpi sgt, %jit3A_525, %sign3A_534 : i32
        %sign3A_536 = arith.extui %sign3A_535 : i1 to i32
        %sign3A_537 = arith.constant 0 : i32
        %sign3A_538 = arith.cmpi slt, %jit3A_525, %sign3A_537 : i32
        %sign3A_539 = arith.extui %sign3A_538 : i1 to i32
        %sign3A_540 = arith.subi %sign3A_536, %sign3A_539 : i32
        %ne3A_541 = arith.cmpi ne, %sign3A_533, %sign3A_540 : i32
        %rem3A_542 = arith.remsi %add3A_524, %jit3A_525 : i32
        %ne3A_543 = arith.constant 0 : i32
        %ne3A_544 = arith.cmpi ne, %rem3A_542, %ne3A_543 : i32
        %and3A_545 = arith.andi %ne3A_541, %ne3A_544 : i1
        %sub3A_546 = arith.constant 1 : i32
        %sub3A_547 = arith.subi %div3A_526, %sub3A_546 : i32
        %select_n3A_548 = arith.select %and3A_545, %sub3A_547, %div3A_526 : i32
        %jit3A_549 = arith.constant 8 : i32
        %eq3A_550 = arith.constant 0 : i32
        %eq3A_551 = arith.cmpi eq, %jit3A_549, %eq3A_550 : i32
        %jit3A_552 = arith.constant 1 : i32
        %select_n3A_553 = arith.select %eq3A_551, %jit3A_552, %jit3A_549 : i32
        %rem3A_554 = arith.remsi %add3A_524, %select_n3A_553 : i32
        %ne3A_555 = arith.constant 0 : i32
        %ne3A_556 = arith.cmpi ne, %rem3A_554, %ne3A_555 : i32
        %lt3A_557 = arith.constant 0 : i32
        %lt3A_558 = arith.cmpi slt, %rem3A_554, %lt3A_557 : i32
        %lt3A_559 = arith.constant 0 : i32
        %lt3A_560 = arith.cmpi slt, %select_n3A_553, %lt3A_559 : i32
        %ne3A_561 = arith.xori %lt3A_558, %lt3A_560 : i1
        %and3A_562 = arith.andi %ne3A_561, %ne3A_556 : i1
        %add3A_563 = arith.addi %rem3A_554, %select_n3A_553 : i32
        %select_n3A_564 = arith.select %and3A_562, %add3A_563, %rem3A_554 : i32
        %dma_start3A_565 = arith.constant 2 : i32
        %dma_start3A_566 = arith.constant 2 : i32
        %dma_start3A_567 = arith.constant 0 : i32
        %dma_start3A_568 = arith.constant 0 : i32
        %dma_start3A_569 = tpu.memref_slice %arg6[%dma_start3A_565, %dma_start3A_567, %dma_start3A_568] : memref<4x128x64xf32, #tpu.memory_space<vmem>> -> memref<1x128x64xf32, #tpu.memory_space<vmem>>
        %dma_start3A_570 = tpu.memref_squeeze %dma_start3A_569 : memref<1x128x64xf32, #tpu.memory_space<vmem>> -> memref<128x64xf32, #tpu.memory_space<vmem>>
        %dma_start3A_571 = arith.constant 0 : i32
        %dma_start3A_572 = tpu.memref_slice %arg5[%select_n3A_548, %select_n3A_564, %dma_start3A_571] : memref<25x8x128xi32, #tpu.memory_space<vmem>> -> memref<1x1x128xi32, #tpu.memory_space<vmem>>
        %dma_start3A_573 = tpu.memref_squeeze %dma_start3A_572 : memref<1x1x128xi32, #tpu.memory_space<vmem>> -> memref<128xi32, #tpu.memory_space<vmem>>
        %dma_start3A_574 = arith.constant 0 : i32
        %dma_start3A_575 = arith.constant 0 : i32
        %dma_start3A_576 = tpu.memref_slice %arg3[%dma_start3A_574, %dma_start3A_575] : memref<1000000x64xf32, #tpu.memory_space<hbm>> -> memref<1000000x64xf32, #tpu.memory_space<hbm>>
        %dma_start3A_577 = tpu.memref_slice %arg8[%dma_start3A_566] : memref<4x!tpu.dma_semaphore, #tpu.memory_space<semaphore_mem>> -> memref<1x!tpu.dma_semaphore, #tpu.memory_space<semaphore_mem>>
        %dma_start3A_578 = tpu.memref_squeeze %dma_start3A_577 : memref<1x!tpu.dma_semaphore, #tpu.memory_space<semaphore_mem>> -> memref<!tpu.dma_semaphore, #tpu.memory_space<semaphore_mem>>
        tpu.enqueue_indirect_dma source(%dma_start3A_576 : memref<1000000x64xf32, #tpu.memory_space<hbm>>) target(%dma_start3A_570 : memref<128x64xf32, #tpu.memory_space<vmem>>) offsets(%dma_start3A_573 : memref<128xi32, #tpu.memory_space<vmem>>) semaphore(%dma_start3A_578 : memref<!tpu.dma_semaphore, #tpu.memory_space<semaphore_mem>>)
      } else {
      }
      %mul3A_409 = arith.constant 4 : i32
      %mul3A_410 = arith.muli %scan3A_118, %mul3A_409 : i32
      %add3A_411 = arith.constant 3 : i32
      %add3A_412 = arith.addi %mul3A_410, %add3A_411 : i32
      %jit3A_413 = arith.constant 8 : i32
      %div3A_414 = arith.divsi %add3A_412, %jit3A_413 : i32
      %sign3A_415 = arith.constant 0 : i32
      %sign3A_416 = arith.cmpi sgt, %add3A_412, %sign3A_415 : i32
      %sign3A_417 = arith.extui %sign3A_416 : i1 to i32
      %sign3A_418 = arith.constant 0 : i32
      %sign3A_419 = arith.cmpi slt, %add3A_412, %sign3A_418 : i32
      %sign3A_420 = arith.extui %sign3A_419 : i1 to i32
      %sign3A_421 = arith.subi %sign3A_417, %sign3A_420 : i32
      %sign3A_422 = arith.constant 0 : i32
      %sign3A_423 = arith.cmpi sgt, %jit3A_413, %sign3A_422 : i32
      %sign3A_424 = arith.extui %sign3A_423 : i1 to i32
      %sign3A_425 = arith.constant 0 : i32
      %sign3A_426 = arith.cmpi slt, %jit3A_413, %sign3A_425 : i32
      %sign3A_427 = arith.extui %sign3A_426 : i1 to i32
      %sign3A_428 = arith.subi %sign3A_424, %sign3A_427 : i32
      %ne3A_429 = arith.cmpi ne, %sign3A_421, %sign3A_428 : i32
      %rem3A_430 = arith.remsi %add3A_412, %jit3A_413 : i32
      %ne3A_431 = arith.constant 0 : i32
      %ne3A_432 = arith.cmpi ne, %rem3A_430, %ne3A_431 : i32
      %and3A_433 = arith.andi %ne3A_429, %ne3A_432 : i1
      %sub3A_434 = arith.constant 1 : i32
      %sub3A_435 = arith.subi %div3A_414, %sub3A_434 : i32
      %select_n3A_436 = arith.select %and3A_433, %sub3A_435, %div3A_414 : i32
      %jit3A_437 = arith.constant 8 : i32
      %eq3A_438 = arith.constant 0 : i32
      %eq3A_439 = arith.cmpi eq, %jit3A_437, %eq3A_438 : i32
      %jit3A_440 = arith.constant 1 : i32
      %select_n3A_441 = arith.select %eq3A_439, %jit3A_440, %jit3A_437 : i32
      %rem3A_442 = arith.remsi %add3A_412, %select_n3A_441 : i32
      %ne3A_443 = arith.constant 0 : i32
      %ne3A_444 = arith.cmpi ne, %rem3A_442, %ne3A_443 : i32
      %lt3A_445 = arith.constant 0 : i32
      %lt3A_446 = arith.cmpi slt, %rem3A_442, %lt3A_445 : i32
      %lt3A_447 = arith.constant 0 : i32
      %lt3A_448 = arith.cmpi slt, %select_n3A_441, %lt3A_447 : i32
      %ne3A_449 = arith.xori %lt3A_446, %lt3A_448 : i1
      %and3A_450 = arith.andi %ne3A_449, %ne3A_444 : i1
      %add3A_451 = arith.addi %rem3A_442, %select_n3A_441 : i32
      %select_n3A_452 = arith.select %and3A_450, %add3A_451, %rem3A_442 : i32
      %dma_wait3A_453 = arith.constant 3 : i32
      %dma_wait3A_454 = arith.constant 3 : i32
      %dma_wait3A_455 = arith.constant 0 : i32
      %dma_wait3A_456 = arith.constant 0 : i32
      %dma_wait3A_457 = tpu.memref_slice %arg6[%dma_wait3A_453, %dma_wait3A_455, %dma_wait3A_456] : memref<4x128x64xf32, #tpu.memory_space<vmem>> -> memref<1x128x64xf32, #tpu.memory_space<vmem>>
      %dma_wait3A_458 = tpu.memref_squeeze %dma_wait3A_457 : memref<1x128x64xf32, #tpu.memory_space<vmem>> -> memref<128x64xf32, #tpu.memory_space<vmem>>
      %dma_wait3A_459 = arith.constant 0 : i32
      %dma_wait3A_460 = tpu.memref_slice %arg5[%select_n3A_436, %select_n3A_452, %dma_wait3A_459] : memref<25x8x128xi32, #tpu.memory_space<vmem>> -> memref<1x1x128xi32, #tpu.memory_space<vmem>>
      %dma_wait3A_461 = tpu.memref_squeeze %dma_wait3A_460 : memref<1x1x128xi32, #tpu.memory_space<vmem>> -> memref<128xi32, #tpu.memory_space<vmem>>
      %dma_wait3A_462 = arith.constant 0 : i32
      %dma_wait3A_463 = arith.constant 0 : i32
      %dma_wait3A_464 = tpu.memref_slice %arg3[%dma_wait3A_462, %dma_wait3A_463] : memref<1000000x64xf32, #tpu.memory_space<hbm>> -> memref<1000000x64xf32, #tpu.memory_space<hbm>>
      %dma_wait3A_465 = tpu.memref_slice %arg8[%dma_wait3A_454] : memref<4x!tpu.dma_semaphore, #tpu.memory_space<semaphore_mem>> -> memref<1x!tpu.dma_semaphore, #tpu.memory_space<semaphore_mem>>
      %dma_wait3A_466 = tpu.memref_squeeze %dma_wait3A_465 : memref<1x!tpu.dma_semaphore, #tpu.memory_space<semaphore_mem>> -> memref<!tpu.dma_semaphore, #tpu.memory_space<semaphore_mem>>
      tpu.wait_indirect_dma semaphore(%dma_wait3A_466 : memref<!tpu.dma_semaphore, #tpu.memory_space<semaphore_mem>>) src(%dma_wait3A_464 : memref<1000000x64xf32, #tpu.memory_space<hbm>>) dst(%dma_wait3A_458 : memref<128x64xf32, #tpu.memory_space<vmem>>)
      %dma_wait3A_467 = arith.constant 1 : i32
      %dma_wait3A_468 = arith.constant 1 : i32
      %dma_wait3A_469 = arith.constant 0 : i32
      %dma_wait3A_470 = arith.constant 0 : i32
      %dma_wait3A_471 = arith.constant 0 : i32
      %dma_wait3A_472 = tpu.memref_slice %arg7[%dma_wait3A_467, %dma_wait3A_469, %dma_wait3A_470, %dma_wait3A_471] : memref<2x8x8x128xf32, #tpu.memory_space<vmem>> -> memref<1x8x8x128xf32, #tpu.memory_space<vmem>>
      %dma_wait3A_473 = tpu.memref_squeeze %dma_wait3A_472 : memref<1x8x8x128xf32, #tpu.memory_space<vmem>> -> memref<8x8x128xf32, #tpu.memory_space<vmem>>
      %dma_wait3A_474 = arith.constant 0 : i32
      %dma_wait3A_475 = arith.constant 0 : i32
      %dma_wait3A_476 = arith.constant 0 : i32
      %dma_wait3A_477 = tpu.memref_slice %arg4[%add3A_412, %dma_wait3A_474, %add3A, %dma_wait3A_475, %dma_wait3A_476] : memref<200x8x32x8x128xf32, #tpu.memory_space<hbm>> -> memref<1x8x1x8x128xf32, #tpu.memory_space<hbm>>
      %dma_wait3A_478 = tpu.memref_squeeze %dma_wait3A_477 : memref<1x8x1x8x128xf32, #tpu.memory_space<hbm>> -> memref<8x8x128xf32, #tpu.memory_space<hbm>>
      %dma_wait3A_479 = tpu.memref_slice %arg9[%dma_wait3A_468] : memref<2x!tpu.dma_semaphore, #tpu.memory_space<semaphore_mem>> -> memref<1x!tpu.dma_semaphore, #tpu.memory_space<semaphore_mem>>
      %dma_wait3A_480 = tpu.memref_squeeze %dma_wait3A_479 : memref<1x!tpu.dma_semaphore, #tpu.memory_space<semaphore_mem>> -> memref<!tpu.dma_semaphore, #tpu.memory_space<semaphore_mem>>
      %dma_wait3A_481 = arith.constant 0 : i32
      %dma_wait3A_482 = arith.constant 0 : i32
      %dma_wait3A_483 = arith.constant 0 : i32
      %dma_wait3A_484 = tpu.memref_slice %arg4[%add3A_412, %dma_wait3A_481, %add3A, %dma_wait3A_482, %dma_wait3A_483] : memref<200x8x32x8x128xf32, #tpu.memory_space<hbm>> -> memref<1x8x1x8x128xf32, #tpu.memory_space<hbm>>
      %dma_wait3A_485 = tpu.memref_squeeze %dma_wait3A_484 : memref<1x8x1x8x128xf32, #tpu.memory_space<hbm>> -> memref<8x8x128xf32, #tpu.memory_space<hbm>>
      %dma_wait3A_486 = arith.constant 0 : i32
      %dma_wait3A_487 = arith.constant 0 : i32
      %dma_wait3A_488 = arith.constant 0 : i32
      %dma_wait3A_489 = tpu.memref_slice %arg7[%dma_wait3A_467, %dma_wait3A_486, %dma_wait3A_487, %dma_wait3A_488] : memref<2x8x8x128xf32, #tpu.memory_space<vmem>> -> memref<1x8x8x128xf32, #tpu.memory_space<vmem>>
      %dma_wait3A_490 = tpu.memref_squeeze %dma_wait3A_489 : memref<1x8x8x128xf32, #tpu.memory_space<vmem>> -> memref<8x8x128xf32, #tpu.memory_space<vmem>>
      tpu.wait_dma2 semaphore(%dma_wait3A_480 : memref<!tpu.dma_semaphore, #tpu.memory_space<semaphore_mem>>) src(%dma_wait3A_490 : memref<8x8x128xf32, #tpu.memory_space<vmem>>) dst(%dma_wait3A_485 : memref<8x8x128xf32, #tpu.memory_space<hbm>>)
      %parallel_loop3A_491 = arith.constant 0 : i32
      %parallel_loop3A_492 = arith.constant 512 : i32
      %parallel_loop3A_493 = arith.constant 1 : i32
      scf.for %parallel_loop3A_523 = %parallel_loop3A_491 to %parallel_loop3A_492 step %parallel_loop3A_493  : i32 {
        %parallel_loop3A_524 = arith.constant 3 : i32
        %parallel_loop3A_525 = arith.shrsi %parallel_loop3A_523, %parallel_loop3A_524 : i32
        %parallel_loop3A_526 = arith.constant 7 : i32
        %parallel_loop3A_527 = arith.andi %parallel_loop3A_523, %parallel_loop3A_526 : i32
        %parallel_loop3A_528 = arith.constant 16 : i32
        %parallel_loop3A_529 = arith.muli %parallel_loop3A_527, %parallel_loop3A_528 : i32
        %parallel_loop3A_530 = vector.broadcast %parallel_loop3A_529 : i32 to vector<16xi32>
        %parallel_loop3A_531 = arith.addi %parallel_loop3A_530, %iota3A : vector<16xi32>
        %parallel_loop3A_532 = vector.broadcast %parallel_loop3A_525 : i32 to vector<16xi32>
        %parallel_loop3A_533 = arith.addi %parallel_loop3A_532, %iota3A : vector<16xi32>
        %parallel_loop3A_534 = arith.constant 63 : i32
        %parallel_loop3A_535 = vector.broadcast %parallel_loop3A_534 : i32 to vector<16xi32>
        %parallel_loop3A_536 = arith.andi %parallel_loop3A_533, %parallel_loop3A_535 : vector<16xi32>
        %parallel_loop3A_537 = arith.constant 3 : i32
        %parallel_loop3A_538 = arith.constant 0 : i32
        %parallel_loop3A_539 = arith.constant 0 : i32
        %parallel_loop3A_540 = tpu.memref_slice %arg6[%parallel_loop3A_537, %parallel_loop3A_538, %parallel_loop3A_539] : memref<4x128x64xf32, #tpu.memory_space<vmem>> -> memref<1x128x64xf32, #tpu.memory_space<vmem>>
        %parallel_loop3A_541 = tpu.memref_squeeze %parallel_loop3A_540 : memref<1x128x64xf32, #tpu.memory_space<vmem>> -> memref<128x64xf32, #tpu.memory_space<vmem>>
        %parallel_loop3A_542 = tpu.vector_load_idx %parallel_loop3A_541[%parallel_loop3A_531, %parallel_loop3A_536] : memref<128x64xf32, #tpu.memory_space<vmem>>[vector<16xi32>, vector<16xi32>], vector<16xf32>,
        %parallel_loop3A_543 = arith.constant 3 : i32
        %parallel_loop3A_544 = vector.broadcast %parallel_loop3A_543 : i32 to vector<16xi32>
        %parallel_loop3A_545 = arith.shrsi %parallel_loop3A_536, %parallel_loop3A_544 : vector<16xi32>
        %parallel_loop3A_546 = arith.constant 7 : i32
        %parallel_loop3A_547 = vector.broadcast %parallel_loop3A_546 : i32 to vector<16xi32>
        %parallel_loop3A_548 = arith.andi %parallel_loop3A_536, %parallel_loop3A_547 : vector<16xi32>
        %parallel_loop3A_549 = arith.constant 8.000000e+00 : f32
        %parallel_loop3A_550 = vector.broadcast %parallel_loop3A_549 : f32 to vector<16xf32>
        %parallel_loop3A_551 = arith.mulf %parallel_loop3A_542, %parallel_loop3A_550 : vector<16xf32>
        %parallel_loop3A_552 = arith.constant 1 : i32
        %parallel_loop3A_553 = arith.constant 0 : i32
        %parallel_loop3A_554 = arith.constant 0 : i32
        %parallel_loop3A_555 = arith.constant 0 : i32
        %parallel_loop3A_556 = tpu.memref_slice %arg7[%parallel_loop3A_552, %parallel_loop3A_553, %parallel_loop3A_554, %parallel_loop3A_555] : memref<2x8x8x128xf32, #tpu.memory_space<vmem>> -> memref<1x8x8x128xf32, #tpu.memory_space<vmem>>
        %parallel_loop3A_557 = tpu.memref_squeeze %parallel_loop3A_556 : memref<1x8x8x128xf32, #tpu.memory_space<vmem>> -> memref<8x8x128xf32, #tpu.memory_space<vmem>>
        tpu.vector_store_idx %parallel_loop3A_557[%parallel_loop3A_545, %parallel_loop3A_548, %parallel_loop3A_531], %parallel_loop3A_551 : memref<8x8x128xf32, #tpu.memory_space<vmem>>[vector<16xi32>, vector<16xi32>, vector<16xi32>], vector<16xf32>,
      } {sc.loop_unroll_factor = 8 : i64, sc.parallel_access}
      %dma_start3A_494 = arith.constant 1 : i32
      %dma_start3A_495 = arith.constant 1 : i32
      %dma_start3A_496 = arith.constant 0 : i32
      %dma_start3A_497 = arith.constant 0 : i32
      %dma_start3A_498 = arith.constant 0 : i32
      %dma_start3A_499 = tpu.memref_slice %arg7[%dma_start3A_494, %dma_start3A_496, %dma_start3A_497, %dma_start3A_498] : memref<2x8x8x128xf32, #tpu.memory_space<vmem>> -> memref<1x8x8x128xf32, #tpu.memory_space<vmem>>
      %dma_start3A_500 = tpu.memref_squeeze %dma_start3A_499 : memref<1x8x8x128xf32, #tpu.memory_space<vmem>> -> memref<8x8x128xf32, #tpu.memory_space<vmem>>
      %dma_start3A_501 = arith.constant 0 : i32
      %dma_start3A_502 = arith.constant 0 : i32
      %dma_start3A_503 = arith.constant 0 : i32
      %dma_start3A_504 = tpu.memref_slice %arg4[%add3A_412, %dma_start3A_501, %add3A, %dma_start3A_502, %dma_start3A_503] : memref<200x8x32x8x128xf32, #tpu.memory_space<hbm>> -> memref<1x8x1x8x128xf32, #tpu.memory_space<hbm>>
      %dma_start3A_505 = tpu.memref_squeeze %dma_start3A_504 : memref<1x8x1x8x128xf32, #tpu.memory_space<hbm>> -> memref<8x8x128xf32, #tpu.memory_space<hbm>>
      %dma_start3A_506 = tpu.memref_slice %arg9[%dma_start3A_495] : memref<2x!tpu.dma_semaphore, #tpu.memory_space<semaphore_mem>> -> memref<1x!tpu.dma_semaphore, #tpu.memory_space<semaphore_mem>>
      %dma_start3A_507 = tpu.memref_squeeze %dma_start3A_506 : memref<1x!tpu.dma_semaphore, #tpu.memory_space<semaphore_mem>> -> memref<!tpu.dma_semaphore, #tpu.memory_space<semaphore_mem>>
      %dma_start3A_508 = arith.constant 0 : i32
      %dma_start3A_509 = arith.constant 0 : i32
      %dma_start3A_510 = arith.constant 0 : i32
      %dma_start3A_511 = tpu.memref_slice %arg4[%add3A_412, %dma_start3A_508, %add3A, %dma_start3A_509, %dma_start3A_510] : memref<200x8x32x8x128xf32, #tpu.memory_space<hbm>> -> memref<1x8x1x8x128xf32, #tpu.memory_space<hbm>>
      %dma_start3A_512 = tpu.memref_squeeze %dma_start3A_511 : memref<1x8x1x8x128xf32, #tpu.memory_space<hbm>> -> memref<8x8x128xf32, #tpu.memory_space<hbm>>
      %dma_start3A_513 = arith.constant 0 : i32
      %dma_start3A_514 = arith.constant 0 : i32
      %dma_start3A_515 = arith.constant 0 : i32
      %dma_start3A_516 = tpu.memref_slice %arg7[%dma_start3A_494, %dma_start3A_513, %dma_start3A_514, %dma_start3A_515] : memref<2x8x8x128xf32, #tpu.memory_space<vmem>> -> memref<1x8x8x128xf32, #tpu.memory_space<vmem>>
      %dma_start3A_517 = tpu.memref_squeeze %dma_start3A_516 : memref<1x8x8x128xf32, #tpu.memory_space<vmem>> -> memref<8x8x128xf32, #tpu.memory_space<vmem>>
      tpu.enqueue_dma source(%dma_start3A_517 : memref<8x8x128xf32, #tpu.memory_space<vmem>>) target(%dma_start3A_512 : memref<8x8x128xf32, #tpu.memory_space<hbm>>) target_semaphore(%dma_start3A_507 : memref<!tpu.dma_semaphore, #tpu.memory_space<semaphore_mem>>)
      %lt3A_518 = arith.constant 49 : i32
      %lt3A_519 = arith.cmpi slt, %scan3A_118, %lt3A_518 : i32
      %convert_element_type3A_520 = arith.extui %lt3A_519 : i1 to i32
      %cond3A_521 = arith.constant 0 : i32
      %cond3A_522 = arith.cmpi ne, %convert_element_type3A_520, %cond3A_521 : i32
      scf.if %cond3A_522 {
        %add3A_523 = arith.constant 4 : i32
        %add3A_524 = arith.addi %add3A_412, %add3A_523 : i32
        %jit3A_525 = arith.constant 8 : i32
        %div3A_526 = arith.divsi %add3A_524, %jit3A_525 : i32
        %sign3A_527 = arith.constant 0 : i32
        %sign3A_528 = arith.cmpi sgt, %add3A_524, %sign3A_527 : i32
        %sign3A_529 = arith.extui %sign3A_528 : i1 to i32
        %sign3A_530 = arith.constant 0 : i32
        %sign3A_531 = arith.cmpi slt, %add3A_524, %sign3A_530 : i32
        %sign3A_532 = arith.extui %sign3A_531 : i1 to i32
        %sign3A_533 = arith.subi %sign3A_529, %sign3A_532 : i32
        %sign3A_534 = arith.constant 0 : i32
        %sign3A_535 = arith.cmpi sgt, %jit3A_525, %sign3A_534 : i32
        %sign3A_536 = arith.extui %sign3A_535 : i1 to i32
        %sign3A_537 = arith.constant 0 : i32
        %sign3A_538 = arith.cmpi slt, %jit3A_525, %sign3A_537 : i32
        %sign3A_539 = arith.extui %sign3A_538 : i1 to i32
        %sign3A_540 = arith.subi %sign3A_536, %sign3A_539 : i32
        %ne3A_541 = arith.cmpi ne, %sign3A_533, %sign3A_540 : i32
        %rem3A_542 = arith.remsi %add3A_524, %jit3A_525 : i32
        %ne3A_543 = arith.constant 0 : i32
        %ne3A_544 = arith.cmpi ne, %rem3A_542, %ne3A_543 : i32
        %and3A_545 = arith.andi %ne3A_541, %ne3A_544 : i1
        %sub3A_546 = arith.constant 1 : i32
        %sub3A_547 = arith.subi %div3A_526, %sub3A_546 : i32
        %select_n3A_548 = arith.select %and3A_545, %sub3A_547, %div3A_526 : i32
        %jit3A_549 = arith.constant 8 : i32
        %eq3A_550 = arith.constant 0 : i32
        %eq3A_551 = arith.cmpi eq, %jit3A_549, %eq3A_550 : i32
        %jit3A_552 = arith.constant 1 : i32
        %select_n3A_553 = arith.select %eq3A_551, %jit3A_552, %jit3A_549 : i32
        %rem3A_554 = arith.remsi %add3A_524, %select_n3A_553 : i32
        %ne3A_555 = arith.constant 0 : i32
        %ne3A_556 = arith.cmpi ne, %rem3A_554, %ne3A_555 : i32
        %lt3A_557 = arith.constant 0 : i32
        %lt3A_558 = arith.cmpi slt, %rem3A_554, %lt3A_557 : i32
        %lt3A_559 = arith.constant 0 : i32
        %lt3A_560 = arith.cmpi slt, %select_n3A_553, %lt3A_559 : i32
        %ne3A_561 = arith.xori %lt3A_558, %lt3A_560 : i1
        %and3A_562 = arith.andi %ne3A_561, %ne3A_556 : i1
        %add3A_563 = arith.addi %rem3A_554, %select_n3A_553 : i32
        %select_n3A_564 = arith.select %and3A_562, %add3A_563, %rem3A_554 : i32
        %dma_start3A_565 = arith.constant 3 : i32
        %dma_start3A_566 = arith.constant 3 : i32
        %dma_start3A_567 = arith.constant 0 : i32
        %dma_start3A_568 = arith.constant 0 : i32
        %dma_start3A_569 = tpu.memref_slice %arg6[%dma_start3A_565, %dma_start3A_567, %dma_start3A_568] : memref<4x128x64xf32, #tpu.memory_space<vmem>> -> memref<1x128x64xf32, #tpu.memory_space<vmem>>
        %dma_start3A_570 = tpu.memref_squeeze %dma_start3A_569 : memref<1x128x64xf32, #tpu.memory_space<vmem>> -> memref<128x64xf32, #tpu.memory_space<vmem>>
        %dma_start3A_571 = arith.constant 0 : i32
        %dma_start3A_572 = tpu.memref_slice %arg5[%select_n3A_548, %select_n3A_564, %dma_start3A_571] : memref<25x8x128xi32, #tpu.memory_space<vmem>> -> memref<1x1x128xi32, #tpu.memory_space<vmem>>
        %dma_start3A_573 = tpu.memref_squeeze %dma_start3A_572 : memref<1x1x128xi32, #tpu.memory_space<vmem>> -> memref<128xi32, #tpu.memory_space<vmem>>
        %dma_start3A_574 = arith.constant 0 : i32
        %dma_start3A_575 = arith.constant 0 : i32
        %dma_start3A_576 = tpu.memref_slice %arg3[%dma_start3A_574, %dma_start3A_575] : memref<1000000x64xf32, #tpu.memory_space<hbm>> -> memref<1000000x64xf32, #tpu.memory_space<hbm>>
        %dma_start3A_577 = tpu.memref_slice %arg8[%dma_start3A_566] : memref<4x!tpu.dma_semaphore, #tpu.memory_space<semaphore_mem>> -> memref<1x!tpu.dma_semaphore, #tpu.memory_space<semaphore_mem>>
        %dma_start3A_578 = tpu.memref_squeeze %dma_start3A_577 : memref<1x!tpu.dma_semaphore, #tpu.memory_space<semaphore_mem>> -> memref<!tpu.dma_semaphore, #tpu.memory_space<semaphore_mem>>
        tpu.enqueue_indirect_dma source(%dma_start3A_576 : memref<1000000x64xf32, #tpu.memory_space<hbm>>) target(%dma_start3A_570 : memref<128x64xf32, #tpu.memory_space<vmem>>) offsets(%dma_start3A_573 : memref<128xi32, #tpu.memory_space<vmem>>) semaphore(%dma_start3A_578 : memref<!tpu.dma_semaphore, #tpu.memory_space<semaphore_mem>>)
      } else {
      }
    }
    %scan3A_68 = arith.constant 50 : i32
    %dma_wait3A = arith.constant 0 : i32
    %dma_wait3A_69 = arith.constant 198 : i32
    %dma_wait3A_70 = arith.constant 0 : i32
    %dma_wait3A_71 = arith.constant 0 : i32
    %dma_wait3A_72 = arith.constant 0 : i32
    %dma_wait3A_73 = arith.constant 0 : i32
    %dma_wait3A_74 = tpu.memref_slice %arg7[%dma_wait3A, %dma_wait3A_71, %dma_wait3A_72, %dma_wait3A_73] : memref<2x8x8x128xf32, #tpu.memory_space<vmem>> -> memref<1x8x8x128xf32, #tpu.memory_space<vmem>>
    %dma_wait3A_75 = tpu.memref_squeeze %dma_wait3A_74 : memref<1x8x8x128xf32, #tpu.memory_space<vmem>> -> memref<8x8x128xf32, #tpu.memory_space<vmem>>
    %dma_wait3A_76 = arith.constant 0 : i32
    %dma_wait3A_77 = arith.constant 0 : i32
    %dma_wait3A_78 = arith.constant 0 : i32
    %dma_wait3A_79 = tpu.memref_slice %arg4[%dma_wait3A_69, %dma_wait3A_76, %add3A, %dma_wait3A_77, %dma_wait3A_78] : memref<200x8x32x8x128xf32, #tpu.memory_space<hbm>> -> memref<1x8x1x8x128xf32, #tpu.memory_space<hbm>>
    %dma_wait3A_80 = tpu.memref_squeeze %dma_wait3A_79 : memref<1x8x1x8x128xf32, #tpu.memory_space<hbm>> -> memref<8x8x128xf32, #tpu.memory_space<hbm>>
    %dma_wait3A_81 = tpu.memref_slice %arg9[%dma_wait3A_70] : memref<2x!tpu.dma_semaphore, #tpu.memory_space<semaphore_mem>> -> memref<1x!tpu.dma_semaphore, #tpu.memory_space<semaphore_mem>>
    %dma_wait3A_82 = tpu.memref_squeeze %dma_wait3A_81 : memref<1x!tpu.dma_semaphore, #tpu.memory_space<semaphore_mem>> -> memref<!tpu.dma_semaphore, #tpu.memory_space<semaphore_mem>>
    %dma_wait3A_83 = arith.constant 0 : i32
    %dma_wait3A_84 = arith.constant 0 : i32
    %dma_wait3A_85 = arith.constant 0 : i32
    %dma_wait3A_86 = tpu.memref_slice %arg4[%dma_wait3A_69, %dma_wait3A_83, %add3A, %dma_wait3A_84, %dma_wait3A_85] : memref<200x8x32x8x128xf32, #tpu.memory_space<hbm>> -> memref<1x8x1x8x128xf32, #tpu.memory_space<hbm>>
    %dma_wait3A_87 = tpu.memref_squeeze %dma_wait3A_86 : memref<1x8x1x8x128xf32, #tpu.memory_space<hbm>> -> memref<8x8x128xf32, #tpu.memory_space<hbm>>
    %dma_wait3A_88 = arith.constant 0 : i32
    %dma_wait3A_89 = arith.constant 0 : i32
    %dma_wait3A_90 = arith.constant 0 : i32
    %dma_wait3A_91 = tpu.memref_slice %arg7[%dma_wait3A, %dma_wait3A_88, %dma_wait3A_89, %dma_wait3A_90] : memref<2x8x8x128xf32, #tpu.memory_space<vmem>> -> memref<1x8x8x128xf32, #tpu.memory_space<vmem>>
    %dma_wait3A_92 = tpu.memref_squeeze %dma_wait3A_91 : memref<1x8x8x128xf32, #tpu.memory_space<vmem>> -> memref<8x8x128xf32, #tpu.memory_space<vmem>>
    tpu.wait_dma2 semaphore(%dma_wait3A_82 : memref<!tpu.dma_semaphore, #tpu.memory_space<semaphore_mem>>) src(%dma_wait3A_92 : memref<8x8x128xf32, #tpu.memory_space<vmem>>) dst(%dma_wait3A_87 : memref<8x8x128xf32, #tpu.memory_space<hbm>>)
    %dma_wait3A_93 = arith.constant 1 : i32
    %dma_wait3A_94 = arith.constant 199 : i32
    %dma_wait3A_95 = arith.constant 1 : i32
    %dma_wait3A_96 = arith.constant 0 : i32
    %dma_wait3A_97 = arith.constant 0 : i32
    %dma_wait3A_98 = arith.constant 0 : i32
    %dma_wait3A_99 = tpu.memref_slice %arg7[%dma_wait3A_93, %dma_wait3A_96, %dma_wait3A_97, %dma_wait3A_98] : memref<2x8x8x128xf32, #tpu.memory_space<vmem>> -> memref<1x8x8x128xf32, #tpu.memory_space<vmem>>
    %dma_wait3A_100 = tpu.memref_squeeze %dma_wait3A_99 : memref<1x8x8x128xf32, #tpu.memory_space<vmem>> -> memref<8x8x128xf32, #tpu.memory_space<vmem>>
    %dma_wait3A_101 = arith.constant 0 : i32
    %dma_wait3A_102 = arith.constant 0 : i32
    %dma_wait3A_103 = arith.constant 0 : i32
    %dma_wait3A_104 = tpu.memref_slice %arg4[%dma_wait3A_94, %dma_wait3A_101, %add3A, %dma_wait3A_102, %dma_wait3A_103] : memref<200x8x32x8x128xf32, #tpu.memory_space<hbm>> -> memref<1x8x1x8x128xf32, #tpu.memory_space<hbm>>
    %dma_wait3A_105 = tpu.memref_squeeze %dma_wait3A_104 : memref<1x8x1x8x128xf32, #tpu.memory_space<hbm>> -> memref<8x8x128xf32, #tpu.memory_space<hbm>>
    %dma_wait3A_106 = tpu.memref_slice %arg9[%dma_wait3A_95] : memref<2x!tpu.dma_semaphore, #tpu.memory_space<semaphore_mem>> -> memref<1x!tpu.dma_semaphore, #tpu.memory_space<semaphore_mem>>
    %dma_wait3A_107 = tpu.memref_squeeze %dma_wait3A_106 : memref<1x!tpu.dma_semaphore, #tpu.memory_space<semaphore_mem>> -> memref<!tpu.dma_semaphore, #tpu.memory_space<semaphore_mem>>
    %dma_wait3A_108 = arith.constant 0 : i32
    %dma_wait3A_109 = arith.constant 0 : i32
    %dma_wait3A_110 = arith.constant 0 : i32
    %dma_wait3A_111 = tpu.memref_slice %arg4[%dma_wait3A_94, %dma_wait3A_108, %add3A, %dma_wait3A_109, %dma_wait3A_110] : memref<200x8x32x8x128xf32, #tpu.memory_space<hbm>> -> memref<1x8x1x8x128xf32, #tpu.memory_space<hbm>>
    %dma_wait3A_112 = tpu.memref_squeeze %dma_wait3A_111 : memref<1x8x1x8x128xf32, #tpu.memory_space<hbm>> -> memref<8x8x128xf32, #tpu.memory_space<hbm>>
    %dma_wait3A_113 = arith.constant 0 : i32
    %dma_wait3A_114 = arith.constant 0 : i32
    %dma_wait3A_115 = arith.constant 0 : i32
    %dma_wait3A_116 = tpu.memref_slice %arg7[%dma_wait3A_93, %dma_wait3A_113, %dma_wait3A_114, %dma_wait3A_115] : memref<2x8x8x128xf32, #tpu.memory_space<vmem>> -> memref<1x8x8x128xf32, #tpu.memory_space<vmem>>
    %dma_wait3A_117 = tpu.memref_squeeze %dma_wait3A_116 : memref<1x8x8x128xf32, #tpu.memory_space<vmem>> -> memref<8x8x128xf32, #tpu.memory_space<vmem>>
    tpu.wait_dma2 semaphore(%dma_wait3A_107 : memref<!tpu.dma_semaphore, #tpu.memory_space<semaphore_mem>>) src(%dma_wait3A_117 : memref<8x8x128xf32, #tpu.memory_space<vmem>>) dst(%dma_wait3A_112 : memref<8x8x128xf32, #tpu.memory_space<hbm>>)
    return
  }
}

</mosaic_0001>

<sc_bundles>
// kernel: kernel.3.cloned.1.call-start
scs
__scs_entry_jumppad:
0x0: {  	(pc) =	sbr.rel $0x88, $3  }
0x1: {  	(tag) =	ssettag $0x0;
	lr =	simm.s32 $0x1  }
0x2: {  	[smem:$0x3F9F] =	sst lr;
	_ =	strace $0xD0000000  }
0x3: {  	_ = 	snop  }
0x4: {  	_ = 	snop  }
0x5: {  	_ = 	snop  }
0x6: {  	_ = 	snop  }
0x7: {  	_ = 	snop  }
__scs_overlays_trampoline_lowered:
0x8: {  	[smem:$0x3FAE] =	sst s0  }
0x9: {  	[smem:$0x3FAF] =	sst s1  }
0xa: {  	[smem:$0x3FB0] =	sst s2  }
0xb: {  	[smem:$0x3FB1] =	sst s3  }
0xc: {  	[smem:$0x3FB2] =	sst s4  }
0xd: {  	[smem:$0x3FB3] =	sst s5  }
0xe: {  	[smem:$0x3FB4] =	sst s6  }
0xf: {  	[smem:$0x3FB5] =	sst s7  }
0x10: {  	[smem:$0x3FB6] =	sst s8  }
0x11: {  	[smem:$0x3FB7] =	sst s9;
	s0 =	simm.s32 @!p0 $0x0  }
0x12: {  	s1 =	sld [smem:$0x3F9D];
	s0 =	simm.s32 @p0 $0x1  }
0x13: {  	[smem:$0x3FB8] =	sst s0;
	s0 =	simm.s32 @!p1 $0x0  }
0x14: {  	s2 =	sld [smem:$0x3F9C];
	s0 =	simm.s32 @p1 $0x1  }
0x15: {  	[smem:$0x3FB9] =	sst s0;
	s0 =	simm.s32 @!p2 $0x0  }
0x16: {  	s3 =	sld [smem:$0x3FDB];
	s0 =	simm.s32 @p2 $0x1  }
0x17: {  	s4 =	simm.s32 $0x1BF5;
	[smem:$0x3FBB] =	sst s0  }
0x18: {  	s0 =	sld [smem:$0x3F9E];
	_ =	swait.ge [sflag:s4], $0x0  }
0x19: {  	s7 =	sld [smem:$0x3F9F]  }
0x1a: {  	s8 =	sadd.s32 $0xFFFFE003, lr  }
0x1b: {  	s9 =	sadd.s32 $0xFFFFFEF7, lr;
	s5 =	simm.s32 $0xFFFFFFFF;
	p2 =	slt.u32 s8, $0xFFFFF086  }
0x1c: {  	p1 =	slt.u32 s9, $0xF7A;
	s5 =	simm.s32 @!p2 $0x0  }
0x1d: {  	s5 =	simm.s32 @p1 $0x1;
	p0 =	seq.s32 s7, s2  }
0x1e: {  	s7 =	smul.u32 @!p0 $0xF7A, s2;
	p2 =	seq.s32 @!p0 s5, $0x0  }
0x1f: {  	s9 =	smul.u32 $0xF7A, s1;
	s8 =	simm.s32 @!p0 $0x1BF5;
	p2 =	por !p2, p0  }
0x20: {  	[sflag:s8] =	ssyncset.s32 @!p0 $0xFFFFF086;
	s6 =	sadd.s32 @!p0 s3, s7;
	s7 =	simm.s32 @!p0 $0x108  }
0x21: {  	s3 =	sadd.s32 s3, s9;
	s6 =	sadd.s32 @!p0 $0x88, s6;
	s7 =	simm.s32 @p2 $0x1082  }
0x22: {  	[simem:s7], [sflag:s8] =	dma.local @!p0 [hbm:s6], $0xF7A  }
0x23: {  	s9 =	sor.u32 $0xD0000000, s2;
	s6 =	simm.s32 $0x108;
	_ =	swait.ge @!p0 [sflag:s8], $0x0  }
0x24: {  	s3 =	sadd.s32 $0x88, s3;
	s6 =	simm.s32 @!p1 $0x1082;
	[sflag:s4] =	ssyncset.s32 $0xFFFFF086  }
0x25: {  	[simem:s6], [sflag:s4] =	dma.local [hbm:s3], $0xF7A  }
0x26: {  	[smem:$0x3F9F] =	sst s1;
	(tag) =	ssettag s2;
	_ =	strace s9  }
0x27: {  	s1 =	sld [smem:$0x3FAF]  }
0x28: {  	s2 =	sld [smem:$0x3FB0]  }
0x29: {  	s4 =	sld [smem:$0x3FB2]  }
0x2a: {  	p0 =	seq.s32 s5, $0x0;
	s5 =	sld [smem:$0x3FB3]  }
0x2b: {  	s6 =	sld [smem:$0x3FB4]  }
0x2c: {  	s7 =	sld [smem:$0x3FB5]  }
0x2d: {  	s3 =	simm.s32 $0x108;
	s8 =	sld [smem:$0x3FB6]  }
0x2e: {  	s3 =	simm.s32 @!p0 $0x1082;
	s9 =	sld [smem:$0x3FB7]  }
0x2f: {  	lr =	sadd.s32 s0, s3;
	s0 =	sld [smem:$0x3FAE]  }
0x30: {  	s3 =	sld [smem:$0x3FB1]  }
0x31: {  	[smem:$0x3FBA] =	sst s10  }
0x32: {  	s10 =	sld [smem:$0x3FB8];
	_ =	sdelay $0x3  }
0x33: {  	p0 =	seq.s32 s10, $0x1;
	s10 =	sld [smem:$0x3FBA];
	_ =	sdelay $0x3  }
0x34: {  	[smem:$0x3FBA] =	sst s10  }
0x35: {  	s10 =	sld [smem:$0x3FB9];
	_ =	sdelay $0x3  }
0x36: {  	p1 =	seq.s32 s10, $0x1;
	s10 =	sld [smem:$0x3FBA];
	_ =	sdelay $0x3  }
0x37: {  	[smem:$0x3FBA] =	sst s10  }
0x38: {  	s10 =	sld [smem:$0x3FBB]  }
0x39: {  	_ = 	snop;
	(pc) =	sbr.ind lr, $3  }
0x3a: {  	_ = 	snop  }
0x3b: {  	_ = 	snop  }
0x3c: {  	p2 =	seq.s32 s10, $0x1;
	s10 =	sld [smem:$0x3FBA]  }
0x3d: {  	_ =	shalt  }
0x3e: {  	_ =	shalt  }
0x3f: {  	_ =	shalt  }
0x40: {  	_ =	shalt  }
0x41: {  	_ =	shalt  }
0x42: {  	_ =	shalt  }
0x43: {  	_ =	shalt  }
0x44: {  	_ =	shalt  }
0x45: {  	_ =	shalt  }
0x46: {  	_ =	shalt  }
0x47: {  	_ =	shalt  }
0x48: {  	_ =	shalt  }
0x49: {  	_ =	shalt  }
0x4a: {  	_ =	shalt  }
0x4b: {  	_ =	shalt  }
0x4c: {  	_ =	shalt  }
0x4d: {  	_ =	shalt  }
0x4e: {  	_ =	shalt  }
0x4f: {  	_ =	shalt  }
0x50: {  	_ =	shalt  }
0x51: {  	_ =	shalt  }
0x52: {  	_ =	shalt  }
0x53: {  	_ =	shalt  }
0x54: {  	_ =	shalt  }
0x55: {  	_ =	shalt  }
0x56: {  	_ =	shalt  }
0x57: {  	_ =	shalt  }
0x58: {  	_ =	shalt  }
0x59: {  	_ =	shalt  }
0x5a: {  	_ =	shalt  }
0x5b: {  	_ =	shalt  }
0x5c: {  	_ =	shalt  }
0x5d: {  	_ =	shalt  }
0x5e: {  	_ =	shalt  }
0x5f: {  	_ =	shalt  }
0x60: {  	_ =	shalt  }
0x61: {  	_ =	shalt  }
0x62: {  	_ =	shalt  }
0x63: {  	_ =	shalt  }
0x64: {  	_ =	shalt  }
0x65: {  	_ =	shalt  }
0x66: {  	_ =	shalt  }
0x67: {  	_ =	shalt  }
0x68: {  	_ =	shalt  }
0x69: {  	_ =	shalt  }
0x6a: {  	_ =	shalt  }
0x6b: {  	_ =	shalt  }
0x6c: {  	_ =	shalt  }
0x6d: {  	_ =	shalt  }
0x6e: {  	_ =	shalt  }
0x6f: {  	_ =	shalt  }
0x70: {  	_ =	shalt  }
0x71: {  	_ =	shalt  }
0x72: {  	_ =	shalt  }
0x73: {  	_ =	shalt  }
0x74: {  	_ =	shalt  }
0x75: {  	_ =	shalt  }
0x76: {  	_ =	shalt  }
0x77: {  	_ =	shalt  }
0x78: {  	_ =	shalt  }
0x79: {  	_ =	shalt  }
0x7a: {  	_ =	shalt  }
0x7b: {  	_ =	shalt  }
0x7c: {  	_ =	shalt  }
0x7d: {  	_ =	shalt  }
0x7e: {  	_ =	shalt  }
0x7f: {  	_ =	shalt  }
0x80: {  	_ =	shalt  }
0x81: {  	_ =	shalt  }
0x82: {  	_ =	shalt  }
0x83: {  	_ =	shalt  }
0x84: {  	_ =	shalt  }
0x85: {  	_ =	shalt  }
0x86: {  	_ =	shalt  }
0x87: {  	_ =	shalt  }
.Lfunc_end0:
.L_simem_size_0:
called_computation_lowered:
.L_overlay_start_0:
0x88: {  	s2 =	sld [smem:$0x3FD9]  }
0x89: {  	s3 =	sld [smem:$0x3FFE];
	_ =	sdelay $0x1  }
0x8a: {  	s1 =	srdreg.scid  }
0x8b: {  	s0 =	sand.u32 $0x1, s1  }
0x8c: {  	s17 =	sshll.u32 s0, $0xA;
	s2 =	sadd.s32 s3, s2  }
0x8d: {  	s2 =	sadd.s32 s2, s17  }
0x8e: {  	[smem:$0x3FC6] =	sst s2  }
0x8f: {  	_ = 	snop  }
0x90: {  	s2 =	sld [smem:$0x3FC9]  }
0x91: {  	s18 =	sld [smem:$0x3FD0];
	(tm) =	ssettm $0x1  }
0x92: {  	s4 =	sld [smem:$0x3FFB];
	_ =	sdelay $0x3  }
0x93: {  	_ =	strace s4  }
0x94: {  	s4 =	sld [smem:$0x3FFC];
	_ =	sdelay $0x3  }
0x95: {  	_ =	strace s4  }
0x96: {  	s4 =	sld [smem:$0x3FFD];
	_ =	sdelay $0x3  }
0x97: {  	_ =	strace s4  }
0x98: {  	_ =	strace $0x8FFFFFFF  }
0x99: {  	s19 =	sld [smem:$0x3FDB];
	_ =	sdelay $0x1  }
0x9a: {  	s5 =	simm.s32 $_scs_section_size  }
0x9b: {  	s6 =	simm.s32 $_size__tile_overlayer_lowered;
	s7 =	simm.s32 $_tile_overlayer_lowered  }
0x9c: {  	s22 =	simm.s32 $0x1BFF;
	s21 =	sshll.u32 s7, $0x1;
	s4 =	sadd.s32 s5, s19  }
0x9d: {  	s8 =	simm.s32 $0x0;
	s20 =	sshll.u32 s6, $0x1;
	s6 =	sadd.s32 s21, s4  }
0x9e: {  	[timem:s8], [sflag:s22] =	dma.local [hbm:s6], s20  }
0x9f: {  	_ =	swait.ge [sflag:s22], s20  }
0xa0: {  	s5 =	ssub.s32 $0x0, s20;
	[sflag:s22] =	ssyncset.done $0x0  }
0xa1: {  	[sflag:s22] =	ssyncadd.s32 s5;
	_ =	sdelay $0x1  }
0xa2: {  	s23 =	simm.s32 $0x1B8B  }
0xa3: {  	_ =	swait.ge [sflag:s23], $0x1  }
0xa4: {  	[sflag:s23] =	ssyncset.done $0x0  }
0xa5: {  	s25 =	simm.s32 $0x1B8E;
	s24 =	sld [smem:$0x3FFE];
	[sflag:s23] =	ssyncadd.s32 $0xFFFFFFFF  }
0xa6: {  	s26 =	simm.s32 $execute0_lowered;
	[smem:$0x3FD2] =	sst s25  }
0xa7: {  	s6 =	sshll.u32 s26, $0x1;
	_ =	strace $0x80000046;
	[dreg:$0x1] =	wrdreg $0xFFFFFFFF  }
0xa8: {  	s28 =	simm.s32 $_size_execute0_lowered;
	s4 =	sadd.s32 s4, s6;
	[dreg:$0x0] =	wrdreg $0x0  }
0xa9: {  	s6 =	sshll.u32 s28, $0x1;
	[dreg:$0x2] =	wrdreg s4  }
0xaa: {  	[dreg:$0x3] =	wrdreg s6  }
0xab: {  	[dreg:$0x4] =	wrdreg $0xC0  }
0xac: {  	_ =	task [dreg:s8], $0x5FFFF  }
0xad: {  	[dreg:$0x1] =	wrdreg $0xFFFFFFFF  }
0xae: {  	[dreg:$0x0] =	wrdreg $0x60  }
0xaf: {  	[dreg:$0x2] =	wrdreg s2  }
0xb0: {  	[dreg:$0x3] =	wrdreg s24  }
0xb1: {  	[dreg:$0x4] =	wrdreg s18  }
0xb2: {  	[dreg:$0x5] =	wrdreg $0x9  }
0xb3: {  	_ =	task.clear_ibuf [dreg:s8], $0x6FFFF;
	_ =	strace $0x90000046  }
0xb4: {  	s29 =	simm.s32 $0x9;
	_ =	strace $0x80000048  }
0xb5: {  	_ =	swait.ge [sflag:s29], $0x1  }
0xb6: {  	[sflag:s29] =	ssyncadd.s32 $0xFFFFFFFF  }
0xb7: {  	_ =	strace $0x90000048  }
0xb8: {  	_ =	sfence  }
0xb9: {  	s30 =	sld [smem:$0x0];
	_ =	sdelay $0x2  }
0xba: {  	s31 =	sshll.u32 s1, $0xD;
	s1 =	sshrl.u32 s1, $0x2  }
0xbb: {  	s3 =	sand.u32 $0x4000, s31;
	s1 =	sadd.s32 s1, s30  }
0xbc: {  	s0 =	sor.u32 s3, s0;
	s1 =	sshll.u32 s1, $0x11  }
0xbd: {  	s0 =	sor.u32 s1, s0  }
0xbe: {  	s0 =	sadd.s32 $0x8F2B, s0  }
0xbf: {  	[sflag:s0] =	ssyncadd.remote.s32 $0x1  }
0xc0: {  	_ =	sfence.sel $0xFFFF  }
0xc1: {  	[dreg:$0x0] =	wrdreg $0xFFFFFFFF;
	(pc) =	sbr.abs _section_cstart, $3  }
0xc2: {  	[dreg:$0x1] =	wrdreg $0xFFFFFFFF  }
0xc3: {  	_ =	task.clear_ibuf [dreg:s8], $0x2FFFF;
	_ =	strace $0x9FFFFFFF  }
0xc4: {  	(tm) =	ssettm $0x7FFFFFFF  }
0xc5: {  	_ =	shalt  }
tec
execute0_lowered:
.L_overlay_start_1:
0x0: {  	(tag) =	ssettag $0x1  }
0x1: {  	s0 =	rddreg [dreg:$0x0]  }
0x2: {  	s2 =	rddreg [dreg:$0x1]  }
0x3: {  	s1 =	rddreg [dreg:$0x2]  }
0x4: {  	s4 =	simm.s32 $0x0;
	s3 =	srdreg.scid;
	s25 =	stileid.u32  }
0x5: {  	s11 =	simm.s32 $0x400;
	s12 =	simm.s32 $0x8000;
	s13 =	simm.s32 $0x7  }
0x6: {  	s14 =	simm.s32 $0x80;
	s15 =	simm.s32 $0x6400;
	s16 =	simm.s32 $0x8400  }
0x7: {  	s18 =	simm.s32 $0xA400;
	s20 =	simm.s32 $0xC400;
	s21 =	simm.s32 $0x1  }
0x8: {  	s22 =	simm.s32 $0xE400;
	s23 =	simm.s32 $0x2;
	s24 =	simm.s32 $0x6  }
0x9: {  	s28 =	simm.s32 $0x5;
	s29 =	simm.s32 $0x4;
	s30 =	simm.s32 $0x0  }
0xa: {  	[smem:$0x7FF] =	sst s4;
	s3 =	sand.u32 $0x1, s3;
	s4 =	sshll.u32 s25, $0xB  }
0xb: {  	v0 =	vlaneseq.u32;
	s5 =	sadd.s32 $0xF42800, s2;
	s6 =	ssub.s32 $0x2, s3;
	s3 =	sshll.u32 s3, $0xA  }
.Ltmp0:
0xc: {  	s8 =	sadd.s32 $0x10000, s1;
	v1 =	vmul.u32 $0x40, v0;
	v3 =	vor.u32 $0x10, v0;
	v5 =	vor.u32 $0x20, v0;
	s4 =	sor.u32 s3, s4;
	(pc) =	sbr.rel .LBB2_1-.Ltmp0, $4  }
0xd: {  	s9 =	sadd.s32 $0x18000, s1;
	v7 =	vor.u32 $0x30, v0;
	v9 =	vor.u32 $0x40, v0;
	v11 =	vor.u32 $0x50, v0;
	s7 =	sshrl.u32 s6, $0x1;
	s3 =	sshrl.u32 s4, $0x3  }
0xe: {  	s25 =	simm.s32 $0x10400;
	v13 =	vor.u32 $0x60, v0;
	v15 =	vor.u32 $0x70, v0;
	v2 =	vor.u32 $0x400, v1;
	s26 =	ssub.s32 s6, s7;
	s0 =	sadd.s32 s0, s3  }
0xf: {  	_ =	strace $0x80000047;
	v4 =	vor.u32 $0x800, v1;
	v6 =	vor.u32 $0xC00, v1;
	v8 =	vor.u32 $0x1000, v1;
	s31 =	smax.u32 s26, $0x1;
	[dreg:$0x4] =	wrdreg s0  }
0x10: {  	v10 =	vor.u32 $0x1400, v1;
	v12 =	vor.u32 $0x1800, v1;
	v14 =	vor.u32 $0x1C00, v1;
	s7 =	sadd.s32 $0x8000, s1;
	s26 =	simm.s32 $0x3;
	[dreg:$0x5] =	wrdreg s31  }
.LBB2_16:
0x11: {  	_ =	swait.ge [sflag:s28], $0x2000  }
0x12: {  	[sflag:s28] =	ssyncset.done $0x0  }
0x13: {  	[sflag:s28] =	ssyncadd.s32 $0xFFFFE000  }
0x14: {  	_ =	swait.ge [sflag:s24], $0x2000  }
0x15: {  	s30 =	sadd.s32 $0x1, s30;
	s0 =	rddreg [dreg:$0x5]  }
0x16: {  	p0 =	sne.s32 s30, s0  }
.Ltmp1:
0x17: {  	_ = 	snop;
	(pc) =	sbr.rel @!p0 .LBB2_17-.Ltmp1, $3  }
0x18: {  	_ =	sdelay $0x1  }
0x19: {  	[sflag:s24] =	ssyncset.done $0x0  }
0x1a: {  	[sflag:s24] =	ssyncadd.s32 $0xFFFFE000  }
.LBB2_1:
0x1b: {  	s0 =	simm.s32 $0x0;
	s2 =	rddreg [dreg:$0x4]  }
0x1c: {  	[tilespmem:s0], [sflag:$0x7] =	stream.strided.gather [hbm4b:s2+s11], $0x6400, s12, s11, $0x38;
	[tilespmem:$0x12400] =	vst v63  }
0x1d: {  	_ =	swait.ge [sflag:s13], $0x6400  }
0x1e: {  	[sflag:s13] =	ssyncset.done $0x0  }
0x1f: {  	[sflag:s13] =	ssyncadd.s32 $0xFFFF9C00  }
0x20: {  	[tilespmem:s15], [sflag:$0x1] =	stream.indirect.gather [hbm4b:s5+s14], $0x40, s0, s14, $0xb8;
	[tilespmem:$0x12400] =	vst v63  }
0x21: {  	_ = 	snop  }
0x22: {  	[tilespmem:s16], [sflag:$0x2] =	stream.indirect.gather [hbm4b:s5+s14], $0x40, s14, s14, $0xb8;
	[tilespmem:$0x12400] =	vst v63  }
0x23: {  	s17 =	simm.s32 $0x100  }
0x24: {  	[tilespmem:s18], [sflag:$0x3] =	stream.indirect.gather [hbm4b:s5+s14], $0x40, s17, s14, $0xb8;
	[tilespmem:$0x12400] =	vst v63  }
0x25: {  	s19 =	simm.s32 $0x180;
	s31 =	simm.s32 $0x0  }
0x26: {  	[tilespmem:s20], [sflag:$0x4] =	stream.indirect.gather [hbm4b:s5+s14], $0x40, s19, s14, $0xb8;
	[tilespmem:$0x12400] =	vst v63  }
.LBB2_2:
0x27: {  	s0 =	simm.s32 $0x0  }
0x28: {  	v16 =	vadd.s32 s0, v0  }
0x29: {  	_ =	swait.ge [sflag:s21], $0x2000;
	v17 =	vand.u32 $0x3F, v16  }
0x2a: {  	p0 =	seq.s32 s31, $0x0;
	[sflag:s21] =	ssyncset.done $0x0;
	v18 =	vor.u32 v1, v17  }
0x2b: {  	s0 =	simm.s32 @!p0 $0x5;
	[sflag:s21] =	ssyncadd.s32 $0xFFFFE000;
	v19 =	vor.u32 v4, v17  }
0x2c: {  	_ =	swait.ge @!p0 [sflag:s0], $0x2000;
	v20 =	vor.u32 v2, v17  }
0x2d: {  	v21 =	vor.u32 v14, v17;
	[sflag:s0] =	ssyncset.done @!p0 $0x0  }
0x2e: {  	v22 =	vor.u32 v6, v17;
	[sflag:s0] =	ssyncadd.s32 @!p0 $0xFFFFE000  }
0x2f: {  	s19 =	simm.s32 $0x1;
	v24 =	vor.u32 v12, v17;
	v18 =	vld.idx.msk [tilespmem:v18+s15+$0x0], $0xffff  }
0x30: {  	v29 =	vadd.s32 s19, v0;
	v16 =	vshll.u32 v16, $0x7;
	v19 =	vld.idx.msk [tilespmem:v19+s15+$0x0], $0xffff  }
0x31: {  	v23 =	vor.u32 v10, v17;
	v25 =	vand.u32 $0x1F80, v16;
	v17 =	vor.u32 v8, v17;
	v20 =	vld.idx.msk [tilespmem:v20+s15+$0x0], $0xffff  }
0x32: {  	v26 =	vor.u32 v9, v25;
	v16 =	vor.u32 v11, v25;
	v27 =	vor.u32 v15, v25;
	v30 =	vld.idx.msk [tilespmem:v21+s15+$0x0], $0xffff  }
0x33: {  	v28 =	vor.u32 v3, v25;
	v32 =	vor.u32 v7, v25;
	v31 =	vor.u32 v5, v25;
	v34 =	vld.idx.msk [tilespmem:v22+s15+$0x0], $0xffff  }
0x34: {  	v33 =	vor.u32 v0, v25;
	v25 =	vor.u32 v13, v25;
	v21 =	vand.u32 $0x3F, v29;
	v38 =	vld.idx.msk [tilespmem:v24+s15+$0x0], $0xffff  }
0x35: {  	v29 =	vshll.u32 v29, $0x7;
	v22 =	vor.u32 v1, v21;
	v35 =	vor.u32 v2, v21  }
0x36: {  	v36 =	vor.u32 v4, v21;
	v37 =	vor.u32 v6, v21;
	v40 =	vor.u32 v10, v21  }
0x37: {  	v39 =	vld.idx.msk [tilespmem:v17+s15+$0x0], $0xffff;
	v41 =	vor.u32 v12, v21;
	v43 =	vor.u32 v14, v21;
	v24 =	vmul.f32 $8.000000000e+00, v19  }
0x38: {  	v44 =	vmul.f32 $8.000000000e+00, v20;
	v19 =	vand.u32 $0x1F80, v29;
	v29 =	vmul.f32 $8.000000000e+00, v18  }
0x39: {  	v23 =	vld.idx.msk [tilespmem:v23+s15+$0x0], $0xffff;
	v42 =	vor.u32 v8, v21;
	v34 =	vmul.f32 $8.000000000e+00, v34;
	v62 =	vmul.f32 $8.000000000e+00, v38;
	[tilespmem:v31+s22+$0x0] =	vst.idx.msk $0xffff, v24  }
0x3a: {  	v22 =	vld.idx.msk [tilespmem:v22+s15+$0x0], $0xffff;
	v17 =	vor.u32 v9, v19;
	v18 =	vor.u32 v11, v19;
	[tilespmem:v28+s22+$0x0] =	vst.idx.msk $0xffff, v44  }
0x3b: {  	v21 =	vor.u32 v15, v19;
	v20 =	vor.u32 v3, v19;
	v36 =	vld.idx.msk [tilespmem:v36+s15+$0x0], $0xffff;
	[tilespmem:v33+s22+$0x0] =	vst.idx.msk $0xffff, v29  }
0x3c: {  	s2 =	simm.s32 $0x2;
	v63 =	vmul.f32 $8.000000000e+00, v39;
	v39 =	vor.u32 v5, v19;
	v31 =	vmul.f32 $8.000000000e+00, v30;
	v30 =	vld.idx.msk [tilespmem:v35+s15+$0x0], $0xffff;
	[tilespmem:v32+s22+$0x0] =	vst.idx.msk $0xffff, v34  }
0x3d: {  	v24 =	vor.u32 v7, v19;
	v29 =	vadd.s32 s2, v0;
	v28 =	vld.idx.msk [tilespmem:v43+s15+$0x0], $0xffff;
	[tilespmem:v25+s22+$0x0] =	vst.idx.msk $0xffff, v62  }
0x3e: {  	v33 =	vmul.f32 $8.000000000e+00, v23;
	v23 =	vor.u32 v0, v19;
	v34 =	vld.idx.msk [tilespmem:v41+s15+$0x0], $0xffff;
	[tilespmem:v26+s22+$0x0] =	vst.idx.msk $0xffff, v63;
	v38 =	vand.u32 $0x3F, v29  }
0x3f: {  	v35 =	vshll.u32 v29, $0x7;
	[tilespmem:v27+s22+$0x0] =	vst.idx.msk $0xffff, v31;
	v31 =	vld.idx.msk [tilespmem:v37+s15+$0x0], $0xffff;
	v37 =	vor.u32 v1, v38  }
0x40: {  	v29 =	vld.idx.msk [tilespmem:v40+s15+$0x0], $0xffff;
	v32 =	vor.u32 v2, v38;
	v40 =	vor.u32 v4, v38;
	v27 =	vor.u32 v6, v38  }
0x41: {  	s3 =	simm.s32 $0x10;
	s0 =	sshll.u32 s31, $0x2;
	v25 =	vor.u32 v10, v38;
	v26 =	vor.u32 v12, v38;
	v41 =	vmul.f32 $8.000000000e+00, v36;
	v36 =	vld.idx.msk [tilespmem:v42+s15+$0x0], $0xffff  }
.LBB2_3:
0x42: {  	v42 =	vor.u32 v8, v38;
	v38 =	vor.u32 v14, v38  }
0x43: {  	s3 =	sadd.s32 $0x8, s3;
	v30 =	vmul.f32 $8.000000000e+00, v30;
	[tilespmem:v16+s22+$0x0] =	vst.idx.msk $0xffff, v33;
	v16 =	vmovc v18;
	v43 =	vmov v21;
	v44 =	vmov v24  }
0x44: {  	v33 =	vmul.f32 $8.000000000e+00, v22;
	p1 =	slt.u32 s3, $0x1F8;
	[tilespmem:v39+s22+$0x0] =	vst.idx.msk $0xffff, v41;
	v41 =	vor.u32 v13, v19;
	v19 =	vand.u32 $0x1F80, v35  }
0x45: {  	v22 =	vld.idx.msk [tilespmem:v37+s15+$0x0], $0xffff;
	v45 =	vor.u32 v9, v19;
	v18 =	vor.u32 v11, v19;
	v21 =	vor.u32 v15, v19  }
0x46: {  	v37 =	vmul.f32 $8.000000000e+00, v31;
	v31 =	vmul.f32 $8.000000000e+00, v28;
	v46 =	vld.idx.msk [tilespmem:v40+s15+$0x0], $0xffff;
	[tilespmem:v20+s22+$0x0] =	vst.idx.msk $0xffff, v30;
	v20 =	vor.u32 v3, v19  }
0x47: {  	s2 =	sadd.s32 $0x1, s2;
	v24 =	vor.u32 v7, v19;
	v34 =	vmul.f32 $8.000000000e+00, v34;
	v30 =	vld.idx.msk [tilespmem:v32+s15+$0x0], $0xffff;
	[tilespmem:v23+s22+$0x0] =	vst.idx.msk $0xffff, v33;
	v33 =	vmul.f32 $8.000000000e+00, v29  }
.Ltmp2:
0x48: {  	v29 =	vadd.s32 s2, v0;
	v23 =	vor.u32 v0, v19;
	v36 =	vmul.f32 $8.000000000e+00, v36;
	v28 =	vld.idx.msk [tilespmem:v38+s15+$0x0], $0xffff;
	[tilespmem:v43+s22+$0x0] =	vst.idx.msk $0xffff, v31;
	(pc) =	sbr.rel @p1 .LBB2_3-.Ltmp2, $4  }
0x49: {  	v39 =	vor.u32 v5, v19;
	v38 =	vand.u32 $0x3F, v29;
	v35 =	vshll.u32 v29, $0x7;
	v31 =	vld.idx.msk [tilespmem:v27+s15+$0x0], $0xffff;
	[tilespmem:v44+s22+$0x0] =	vst.idx.msk $0xffff, v37  }
0x4a: {  	v37 =	vor.u32 v1, v38;
	v32 =	vor.u32 v2, v38;
	v29 =	vld.idx.msk [tilespmem:v25+s15+$0x0], $0xffff;
	[tilespmem:v41+s22+$0x0] =	vst.idx.msk $0xffff, v34  }
0x4b: {  	v40 =	vor.u32 v4, v38;
	v27 =	vor.u32 v6, v38;
	v34 =	vld.idx.msk [tilespmem:v26+s15+$0x0], $0xffff;
	[tilespmem:v17+s22+$0x0] =	vst.idx.msk $0xffff, v36  }
0x4c: {  	v25 =	vor.u32 v10, v38;
	v26 =	vor.u32 v12, v38;
	v41 =	vmul.f32 $8.000000000e+00, v46;
	v17 =	vmovc v45;
	v36 =	vld.idx.msk [tilespmem:v42+s15+$0x0], $0xffff  }
0x4d: {  	_ =	sdelay $0x3  }
0x4e: {  	v30 =	vmul.f32 $8.000000000e+00, v30;
	[tilespmem:v16+s22+$0x0] =	vst.idx.msk $0xffff, v33  }
0x4f: {  	v42 =	vor.u32 v14, v38;
	v16 =	vmul.f32 $8.000000000e+00, v22;
	[tilespmem:v39+s22+$0x0] =	vst.idx.msk $0xffff, v41  }
0x50: {  	v19 =	vor.u32 v13, v19;
	v43 =	vmul.f32 $8.000000000e+00, v28;
	v32 =	vld.idx.msk [tilespmem:v32+s15+$0x0], $0xffff;
	[tilespmem:v20+s22+$0x0] =	vst.idx.msk $0xffff, v30  }
0x51: {  	v44 =	vor.u32 v8, v38;
	v45 =	vand.u32 $0x1F80, v35;
	v27 =	vld.idx.msk [tilespmem:v27+s15+$0x0], $0xffff;
	v31 =	vmul.f32 $8.000000000e+00, v31;
	[tilespmem:v23+s22+$0x0] =	vst.idx.msk $0xffff, v16  }
0x52: {  	v41 =	vld.idx.msk [tilespmem:v40+s15+$0x0], $0xffff;
	v48 =	vor.u32 v3, v45;
	[tilespmem:v21+s22+$0x0] =	vst.idx.msk $0xffff, v43;
	v51 =	vmul.f32 $8.000000000e+00, v29  }
0x53: {  	v58 =	vld.idx.msk [tilespmem:v25+s15+$0x0], $0xffff;
	v55 =	vor.u32 v7, v45;
	v46 =	vmul.f32 $8.000000000e+00, v34;
	[tilespmem:v24+s22+$0x0] =	vst.idx.msk $0xffff, v31  }
0x54: {  	v47 =	vor.u32 v5, v45;
	v16 =	vld.idx.msk [tilespmem:v37+s15+$0x0], $0xffff;
	v50 =	vmul.f32 $8.000000000e+00, v36;
	[tilespmem:v18+s22+$0x0] =	vst.idx.msk $0xffff, v51  }
0x55: {  	v61 =	vor.u32 v11, v45;
	v49 =	vld.idx.msk [tilespmem:v42+s15+$0x0], $0xffff;
	[tilespmem:v19+s22+$0x0] =	vst.idx.msk $0xffff, v46;
	v57 =	vmul.f32 $8.000000000e+00, v32  }
0x56: {  	v52 =	vor.u32 v0, v45;
	v56 =	vld.idx.msk [tilespmem:v44+s15+$0x0], $0xffff;
	v62 =	vmul.f32 $8.000000000e+00, v27;
	[tilespmem:v17+s22+$0x0] =	vst.idx.msk $0xffff, v50  }
0x57: {  	v54 =	vld.idx.msk [tilespmem:v26+s15+$0x0], $0xffff;
	v53 =	vor.u32 v15, v45;
	v17 =	vmul.f32 $8.000000000e+00, v41;
	[tilespmem:v48+s22+$0x0] =	vst.idx.msk $0xffff, v57  }
0x58: {  	v59 =	vor.u32 v9, v45;
	v18 =	vmul.f32 $8.000000000e+00, v58;
	[tilespmem:v55+s22+$0x0] =	vst.idx.msk $0xffff, v62  }
0x59: {  	v16 =	vmul.f32 $8.000000000e+00, v16;
	[tilespmem:v47+s22+$0x0] =	vst.idx.msk $0xffff, v17;
	v17 =	vor.u32 v13, v45  }
0x5a: {  	p1 =	sne.s32 s31, $0x31;
	[tilespmem:v61+s22+$0x0] =	vst.idx.msk $0xffff, v18;
	v60 =	vmul.f32 $8.000000000e+00, v49  }
.Ltmp3:
0x5b: {  	s2 =	sshll.u32 s31, $0x14;
	[tilespmem:v52+s22+$0x0] =	vst.idx.msk $0xffff, v16;
	v63 =	vmul.f32 $8.000000000e+00, v56;
	(pc) =	sbr.rel @p1 .LBB2_6-.Ltmp3, $4  }
0x5c: {  	s2 =	sor.u32 s4, s2;
	v16 =	vmul.f32 $8.000000000e+00, v54;
	[tilespmem:v53+s22+$0x0] =	vst.idx.msk $0xffff, v60  }
0x5d: {  	s2 =	sshrl.u32 s2, $0x3;
	[tilespmem:v59+s22+$0x0] =	vst.idx.msk $0xffff, v63  }
0x5e: {  	s3 =	sadd.s32 s1, s2;
	[tilespmem:v17+s22+$0x0] =	vst.idx.msk $0xffff, v16  }
0x5f: {  	[hbm4b:s3+s11] =	stream.strided.scatter [tilespmem:s22], [sflag:$0x5], $0x2000, s12, s11, $0x38;
	[tilespmem:$0x12400] =	vst v63  }
.Ltmp4:
0x60: {  	(pc) =	sbr.rel .LBB2_7-.Ltmp4, $4  }
0x61: {  	_ = 	snop  }
0x62: {  	_ =	swait.ge [sflag:s23], $0x2000  }
0x63: {  	[sflag:s23] =	ssyncset.done $0x0  }
0x64: {  	[sflag:s23] =	ssyncadd.s32 $0xFFFFE000  }
.LBB2_6:
0x65: {  	s3 =	sshll.u32 s0, $0x7  }
0x66: {  	s3 =	sadd.s32 $0x200, s3  }
.Ltmp5:
0x67: {  	s3 =	sand.u32 $0xFE00, s3;
	(pc) =	sbr.rel @p0 .LBB2_8-.Ltmp5, $4  }
0x68: {  	[tilespmem:s15], [sflag:$0x1] =	stream.indirect.gather [hbm4b:s5+s14], $0x40, s3, s14, $0xb8;
	[tilespmem:$0x12400] =	vst v63  }
0x69: {  	_ =	swait.ge [sflag:s23], $0x2000  }
0x6a: {  	[sflag:s23] =	ssyncset.done $0x0  }
0x6b: {  	[sflag:s23] =	ssyncadd.s32 $0xFFFFE000  }
.LBB2_7:
0x6c: {  	_ =	swait.ge [sflag:s24], $0x2000  }
0x6d: {  	[sflag:s24] =	ssyncset.done $0x0  }
0x6e: {  	[sflag:s24] =	ssyncadd.s32 $0xFFFFE000  }
.LBB2_8:
0x6f: {  	s3 =	simm.s32 $0x0  }
0x70: {  	v16 =	vadd.s32 s3, v0  }
0x71: {  	v17 =	vand.u32 $0x3F, v16  }
0x72: {  	v18 =	vor.u32 v1, v17  }
0x73: {  	v19 =	vor.u32 v4, v17  }
0x74: {  	v20 =	vor.u32 v2, v17  }
0x75: {  	v21 =	vor.u32 v14, v17  }
0x76: {  	v22 =	vor.u32 v6, v17  }
0x77: {  	s19 =	simm.s32 $0x1;
	v24 =	vor.u32 v12, v17;
	v18 =	vld.idx.msk [tilespmem:v18+s16+$0x0], $0xffff  }
0x78: {  	v29 =	vadd.s32 s19, v0;
	v16 =	vshll.u32 v16, $0x7;
	v19 =	vld.idx.msk [tilespmem:v19+s16+$0x0], $0xffff  }
0x79: {  	v23 =	vor.u32 v10, v17;
	v25 =	vand.u32 $0x1F80, v16;
	v17 =	vor.u32 v8, v17;
	v20 =	vld.idx.msk [tilespmem:v20+s16+$0x0], $0xffff  }
0x7a: {  	v26 =	vor.u32 v9, v25;
	v16 =	vor.u32 v11, v25;
	v27 =	vor.u32 v15, v25;
	v30 =	vld.idx.msk [tilespmem:v21+s16+$0x0], $0xffff  }
0x7b: {  	v28 =	vor.u32 v3, v25;
	v32 =	vor.u32 v7, v25;
	v31 =	vor.u32 v5, v25;
	v34 =	vld.idx.msk [tilespmem:v22+s16+$0x0], $0xffff  }
0x7c: {  	v33 =	vor.u32 v0, v25;
	v45 =	vor.u32 v13, v25;
	v21 =	vand.u32 $0x3F, v29;
	v24 =	vld.idx.msk [tilespmem:v24+s16+$0x0], $0xffff  }
0x7d: {  	v29 =	vshll.u32 v29, $0x7;
	v22 =	vor.u32 v1, v21;
	v35 =	vor.u32 v2, v21  }
0x7e: {  	v36 =	vor.u32 v4, v21;
	v37 =	vor.u32 v6, v21;
	v40 =	vor.u32 v10, v21  }
0x7f: {  	v39 =	vld.idx.msk [tilespmem:v17+s16+$0x0], $0xffff;
	v41 =	vor.u32 v12, v21;
	v43 =	vor.u32 v14, v21;
	v38 =	vmul.f32 $8.000000000e+00, v19  }
0x80: {  	v44 =	vmul.f32 $8.000000000e+00, v20;
	v19 =	vand.u32 $0x1F80, v29;
	v29 =	vmul.f32 $8.000000000e+00, v18  }
0x81: {  	v23 =	vld.idx.msk [tilespmem:v23+s16+$0x0], $0xffff;
	v42 =	vor.u32 v8, v21;
	v34 =	vmul.f32 $8.000000000e+00, v34;
	v24 =	vmul.f32 $8.000000000e+00, v24;
	[tilespmem:v31+s25+$0x0] =	vst.idx.msk $0xffff, v38  }
0x82: {  	v22 =	vld.idx.msk [tilespmem:v22+s16+$0x0], $0xffff;
	v17 =	vor.u32 v9, v19;
	v18 =	vor.u32 v11, v19;
	[tilespmem:v28+s25+$0x0] =	vst.idx.msk $0xffff, v44  }
0x83: {  	v21 =	vor.u32 v15, v19;
	v20 =	vor.u32 v3, v19;
	v36 =	vld.idx.msk [tilespmem:v36+s16+$0x0], $0xffff;
	[tilespmem:v33+s25+$0x0] =	vst.idx.msk $0xffff, v29  }
0x84: {  	s3 =	simm.s32 $0x2;
	v63 =	vmul.f32 $8.000000000e+00, v39;
	v25 =	vor.u32 v7, v19;
	v31 =	vmul.f32 $8.000000000e+00, v30;
	v30 =	vld.idx.msk [tilespmem:v35+s16+$0x0], $0xffff;
	[tilespmem:v32+s25+$0x0] =	vst.idx.msk $0xffff, v34  }
0x85: {  	v39 =	vor.u32 v5, v19;
	v29 =	vadd.s32 s3, v0;
	v28 =	vld.idx.msk [tilespmem:v43+s16+$0x0], $0xffff;
	[tilespmem:v45+s25+$0x0] =	vst.idx.msk $0xffff, v24  }
0x86: {  	v33 =	vmul.f32 $8.000000000e+00, v23;
	v23 =	vor.u32 v0, v19;
	v34 =	vld.idx.msk [tilespmem:v41+s16+$0x0], $0xffff;
	[tilespmem:v26+s25+$0x0] =	vst.idx.msk $0xffff, v63;
	v38 =	vand.u32 $0x3F, v29  }
0x87: {  	v35 =	vshll.u32 v29, $0x7;
	[tilespmem:v27+s25+$0x0] =	vst.idx.msk $0xffff, v31;
	v31 =	vld.idx.msk [tilespmem:v37+s16+$0x0], $0xffff;
	v37 =	vor.u32 v1, v38  }
0x88: {  	v29 =	vld.idx.msk [tilespmem:v40+s16+$0x0], $0xffff;
	v32 =	vor.u32 v2, v38;
	v40 =	vor.u32 v4, v38;
	v27 =	vor.u32 v6, v38  }
0x89: {  	s17 =	simm.s32 $0x10;
	v24 =	vor.u32 v10, v38;
	v26 =	vor.u32 v12, v38;
	v41 =	vmul.f32 $8.000000000e+00, v36;
	v36 =	vld.idx.msk [tilespmem:v42+s16+$0x0], $0xffff  }
.LBB2_9:
0x8a: {  	v42 =	vor.u32 v8, v38;
	v38 =	vor.u32 v14, v38  }
0x8b: {  	s17 =	sadd.s32 $0x8, s17;
	v30 =	vmul.f32 $8.000000000e+00, v30;
	[tilespmem:v16+s25+$0x0] =	vst.idx.msk $0xffff, v33;
	v16 =	vmovc v18;
	v43 =	vmov v21;
	v44 =	vmov v25  }
0x8c: {  	v33 =	vmul.f32 $8.000000000e+00, v22;
	p0 =	slt.u32 s17, $0x1F8;
	[tilespmem:v39+s25+$0x0] =	vst.idx.msk $0xffff, v41;
	v41 =	vor.u32 v13, v19;
	v19 =	vand.u32 $0x1F80, v35  }
0x8d: {  	v22 =	vld.idx.msk [tilespmem:v37+s16+$0x0], $0xffff;
	v45 =	vor.u32 v9, v19;
	v18 =	vor.u32 v11, v19;
	v21 =	vor.u32 v15, v19  }
0x8e: {  	v37 =	vmul.f32 $8.000000000e+00, v31;
	v31 =	vmul.f32 $8.000000000e+00, v28;
	v46 =	vld.idx.msk [tilespmem:v40+s16+$0x0], $0xffff;
	[tilespmem:v20+s25+$0x0] =	vst.idx.msk $0xffff, v30;
	v20 =	vor.u32 v3, v19  }
0x8f: {  	s3 =	sadd.s32 $0x1, s3;
	v25 =	vor.u32 v7, v19;
	v34 =	vmul.f32 $8.000000000e+00, v34;
	v30 =	vld.idx.msk [tilespmem:v32+s16+$0x0], $0xffff;
	[tilespmem:v23+s25+$0x0] =	vst.idx.msk $0xffff, v33;
	v33 =	vmul.f32 $8.000000000e+00, v29  }
.Ltmp6:
0x90: {  	v29 =	vadd.s32 s3, v0;
	v23 =	vor.u32 v0, v19;
	v36 =	vmul.f32 $8.000000000e+00, v36;
	v28 =	vld.idx.msk [tilespmem:v38+s16+$0x0], $0xffff;
	[tilespmem:v43+s25+$0x0] =	vst.idx.msk $0xffff, v31;
	(pc) =	sbr.rel @p0 .LBB2_9-.Ltmp6, $4  }
0x91: {  	v39 =	vor.u32 v5, v19;
	v38 =	vand.u32 $0x3F, v29;
	v35 =	vshll.u32 v29, $0x7;
	v31 =	vld.idx.msk [tilespmem:v27+s16+$0x0], $0xffff;
	[tilespmem:v44+s25+$0x0] =	vst.idx.msk $0xffff, v37  }
0x92: {  	v37 =	vor.u32 v1, v38;
	v32 =	vor.u32 v2, v38;
	v29 =	vld.idx.msk [tilespmem:v24+s16+$0x0], $0xffff;
	[tilespmem:v41+s25+$0x0] =	vst.idx.msk $0xffff, v34  }
0x93: {  	v40 =	vor.u32 v4, v38;
	v27 =	vor.u32 v6, v38;
	v34 =	vld.idx.msk [tilespmem:v26+s16+$0x0], $0xffff;
	[tilespmem:v17+s25+$0x0] =	vst.idx.msk $0xffff, v36  }
0x94: {  	v24 =	vor.u32 v10, v38;
	v26 =	vor.u32 v12, v38;
	v41 =	vmul.f32 $8.000000000e+00, v46;
	v17 =	vmovc v45;
	v36 =	vld.idx.msk [tilespmem:v42+s16+$0x0], $0xffff  }
0x95: {  	_ =	sdelay $0x2  }
0x96: {  	v30 =	vmul.f32 $8.000000000e+00, v30  }
0x97: {  	v42 =	vor.u32 v14, v38;
	[tilespmem:v16+s25+$0x0] =	vst.idx.msk $0xffff, v33;
	v16 =	vmul.f32 $8.000000000e+00, v22;
	v19 =	vor.u32 v13, v19  }
0x98: {  	v22 =	vld.idx.msk [tilespmem:v40+s16+$0x0], $0xffff;
	v31 =	vmul.f32 $8.000000000e+00, v31;
	[tilespmem:v20+s25+$0x0] =	vst.idx.msk $0xffff, v30  }
0x99: {  	v32 =	vld.idx.msk [tilespmem:v32+s16+$0x0], $0xffff;
	v20 =	vmul.f32 $8.000000000e+00, v28;
	[tilespmem:v23+s25+$0x0] =	vst.idx.msk $0xffff, v16  }
0x9a: {  	v27 =	vld.idx.msk [tilespmem:v27+s16+$0x0], $0xffff;
	v28 =	vor.u32 v8, v38;
	v30 =	vand.u32 $0x1F80, v35;
	v23 =	vmul.f32 $8.000000000e+00, v34;
	[tilespmem:v25+s25+$0x0] =	vst.idx.msk $0xffff, v31  }
0x9b: {  	v16 =	vld.idx.msk [tilespmem:v37+s16+$0x0], $0xffff;
	v25 =	vmul.f32 $8.000000000e+00, v29;
	[tilespmem:v21+s25+$0x0] =	vst.idx.msk $0xffff, v20;
	v20 =	vor.u32 v5, v30  }
0x9c: {  	v21 =	vor.u32 v3, v30;
	v50 =	vmul.f32 $8.000000000e+00, v36;
	v49 =	vld.idx.msk [tilespmem:v42+s16+$0x0], $0xffff;
	[tilespmem:v19+s25+$0x0] =	vst.idx.msk $0xffff, v23  }
0x9d: {  	v29 =	vor.u32 v0, v30;
	v23 =	vld.idx.msk [tilespmem:v26+s16+$0x0], $0xffff;
	[tilespmem:v18+s25+$0x0] =	vst.idx.msk $0xffff, v25  }
0x9e: {  	v18 =	vld.idx.msk [tilespmem:v24+s16+$0x0], $0xffff;
	[tilespmem:v17+s25+$0x0] =	vst.idx.msk $0xffff, v50;
	v17 =	vmul.f32 $8.000000000e+00, v22;
	v22 =	vor.u32 v7, v30  }
0x9f: {  	[tilespmem:v39+s25+$0x0] =	vst.idx.msk $0xffff, v41;
	v19 =	vor.u32 v15, v30;
	v26 =	vld.idx.msk [tilespmem:v28+s16+$0x0], $0xffff;
	v28 =	vmul.f32 $8.000000000e+00, v32  }
0xa0: {  	v24 =	vor.u32 v11, v30;
	v16 =	vmul.f32 $8.000000000e+00, v16;
	[tilespmem:v20+s25+$0x0] =	vst.idx.msk $0xffff, v17  }
0xa1: {  	v25 =	vmul.f32 $8.000000000e+00, v27;
	v17 =	vor.u32 v13, v30;
	[tilespmem:v21+s25+$0x0] =	vst.idx.msk $0xffff, v28  }
0xa2: {  	v20 =	vor.u32 v9, v30;
	[tilespmem:v29+s25+$0x0] =	vst.idx.msk $0xffff, v16;
	v21 =	vmul.f32 $8.000000000e+00, v49  }
0xa3: {  	v18 =	vmul.f32 $8.000000000e+00, v18;
	[tilespmem:v22+s25+$0x0] =	vst.idx.msk $0xffff, v25  }
0xa4: {  	v16 =	vmul.f32 $8.000000000e+00, v23;
	[tilespmem:v19+s25+$0x0] =	vst.idx.msk $0xffff, v21  }
0xa5: {  	v19 =	vmul.f32 $8.000000000e+00, v26;
	[tilespmem:v24+s25+$0x0] =	vst.idx.msk $0xffff, v18  }
0xa6: {  	p0 =	seq.s32 s31, $0x31;
	[tilespmem:v17+s25+$0x0] =	vst.idx.msk $0xffff, v16  }
0xa7: {  	s3 =	sadd.s32 s2, s7;
	s17 =	sshll.u32 @!p0 s0, $0x7;
	[tilespmem:v20+s25+$0x0] =	vst.idx.msk $0xffff, v19  }
0xa8: {  	[hbm4b:s3+s11] =	stream.strided.scatter [tilespmem:s25], [sflag:$0x6], $0x2000, s12, s11, $0x38;
	[tilespmem:$0x12400] =	vst v63  }
0xa9: {  	s10 =	simm.s32 $0x0;
	s3 =	sadd.s32 @!p0 $0x280, s17  }
0xaa: {  	s6 =	simm.s32 @!p0 $0x80;
	s19 =	simm.s32 @!p0 $0x8400;
	s3 =	sand.u32 @!p0 $0xFE80, s3  }
0xab: {  	v16 =	vadd.s32 s10, v0;
	[tilespmem:s19], [sflag:$0x2] =	stream.indirect.gather @!p0 [hbm4b:s5+s6], $0x40, s3, s6, $0xb8;
	[tilespmem:$0x12400] =	vst v63  }
0xac: {  	v17 =	vand.u32 $0x3F, v16;
	_ =	swait.ge [sflag:s26], $0x2000  }
0xad: {  	v18 =	vor.u32 v1, v17;
	[sflag:s26] =	ssyncset.done $0x0  }
0xae: {  	v19 =	vor.u32 v4, v17;
	[sflag:s26] =	ssyncadd.s32 $0xFFFFE000  }
0xaf: {  	v20 =	vor.u32 v2, v17;
	_ =	swait.ge [sflag:s28], $0x2000  }
0xb0: {  	v21 =	vor.u32 v14, v17;
	[sflag:s28] =	ssyncset.done $0x0  }
0xb1: {  	v22 =	vor.u32 v6, v17;
	[sflag:s28] =	ssyncadd.s32 $0xFFFFE000  }
0xb2: {  	v23 =	vor.u32 v10, v17;
	v18 =	vld.idx.msk [tilespmem:v18+s18+$0x0], $0xffff  }
0xb3: {  	v16 =	vshll.u32 v16, $0x7;
	v24 =	vor.u32 v12, v17;
	v19 =	vld.idx.msk [tilespmem:v19+s18+$0x0], $0xffff  }
0xb4: {  	v25 =	vand.u32 $0x1F80, v16;
	v20 =	vld.idx.msk [tilespmem:v20+s18+$0x0], $0xffff  }
0xb5: {  	v17 =	vor.u32 v8, v17;
	v26 =	vor.u32 v9, v25;
	v16 =	vor.u32 v11, v25;
	v30 =	vld.idx.msk [tilespmem:v21+s18+$0x0], $0xffff  }
0xb6: {  	s19 =	simm.s32 $0x1;
	v27 =	vor.u32 v15, v25;
	v28 =	vor.u32 v3, v25;
	v51 =	vor.u32 v7, v25;
	v53 =	vld.idx.msk [tilespmem:v22+s18+$0x0], $0xffff  }
0xb7: {  	v31 =	vor.u32 v5, v25;
	v52 =	vor.u32 v0, v25;
	v29 =	vadd.s32 s19, v0;
	v23 =	vld.idx.msk [tilespmem:v23+s18+$0x0], $0xffff  }
0xb8: {  	v25 =	vor.u32 v13, v25;
	v21 =	vand.u32 $0x3F, v29;
	v29 =	vshll.u32 v29, $0x7;
	v57 =	vld.idx.msk [tilespmem:v24+s18+$0x0], $0xffff  }
0xb9: {  	v22 =	vor.u32 v1, v21;
	v54 =	vor.u32 v2, v21;
	v55 =	vor.u32 v4, v21  }
0xba: {  	v56 =	vor.u32 v6, v21;
	v58 =	vor.u32 v10, v21;
	v59 =	vor.u32 v12, v21  }
0xbb: {  	v60 =	vld.idx.msk [tilespmem:v17+s18+$0x0], $0xffff;
	v43 =	vor.u32 v14, v21;
	v24 =	vmul.f32 $8.000000000e+00, v19;
	v44 =	vmul.f32 $8.000000000e+00, v20  }
0xbc: {  	v19 =	vand.u32 $0x1F80, v29;
	v29 =	vmul.f32 $8.000000000e+00, v18;
	v34 =	vmul.f32 $8.000000000e+00, v53  }
0xbd: {  	v61 =	vor.u32 v8, v21;
	v33 =	vmul.f32 $8.000000000e+00, v23;
	v62 =	vmul.f32 $8.000000000e+00, v57;
	[tilespmem:v31+s22+$0x0] =	vst.idx.msk $0xffff, v24  }
0xbe: {  	v22 =	vld.idx.msk [tilespmem:v22+s18+$0x0], $0xffff;
	v17 =	vor.u32 v9, v19;
	v18 =	vor.u32 v11, v19;
	[tilespmem:v28+s22+$0x0] =	vst.idx.msk $0xffff, v44  }
0xbf: {  	v21 =	vor.u32 v15, v19;
	v20 =	vor.u32 v3, v19;
	v36 =	vld.idx.msk [tilespmem:v55+s18+$0x0], $0xffff;
	[tilespmem:v52+s22+$0x0] =	vst.idx.msk $0xffff, v29  }
0xc0: {  	s3 =	simm.s32 $0x2;
	v63 =	vmul.f32 $8.000000000e+00, v60;
	v23 =	vor.u32 v0, v19;
	v31 =	vmul.f32 $8.000000000e+00, v30;
	v30 =	vld.idx.msk [tilespmem:v54+s18+$0x0], $0xffff;
	[tilespmem:v51+s22+$0x0] =	vst.idx.msk $0xffff, v34  }
0xc1: {  	v39 =	vor.u32 v5, v19;
	v29 =	vadd.s32 s3, v0;
	v28 =	vld.idx.msk [tilespmem:v43+s18+$0x0], $0xffff;
	[tilespmem:v25+s22+$0x0] =	vst.idx.msk $0xffff, v62  }
0xc2: {  	v24 =	vor.u32 v7, v19;
	v34 =	vld.idx.msk [tilespmem:v59+s18+$0x0], $0xffff;
	[tilespmem:v26+s22+$0x0] =	vst.idx.msk $0xffff, v63;
	v38 =	vand.u32 $0x3F, v29  }
0xc3: {  	v35 =	vshll.u32 v29, $0x7;
	v29 =	vld.idx.msk [tilespmem:v58+s18+$0x0], $0xffff;
	[tilespmem:v27+s22+$0x0] =	vst.idx.msk $0xffff, v31;
	v37 =	vor.u32 v1, v38  }
0xc4: {  	v31 =	vld.idx.msk [tilespmem:v56+s18+$0x0], $0xffff;
	v32 =	vor.u32 v2, v38;
	v40 =	vor.u32 v4, v38;
	v27 =	vor.u32 v6, v38  }
0xc5: {  	s6 =	simm.s32 $0x10;
	s19 =	sadd.s32 s2, s8;
	v25 =	vor.u32 v10, v38;
	v26 =	vor.u32 v12, v38;
	v41 =	vmul.f32 $8.000000000e+00, v36;
	v36 =	vld.idx.msk [tilespmem:v61+s18+$0x0], $0xffff  }
.LBB2_11:
0xc6: {  	v42 =	vor.u32 v8, v38;
	v38 =	vor.u32 v14, v38  }
0xc7: {  	s6 =	sadd.s32 $0x8, s6;
	v30 =	vmul.f32 $8.000000000e+00, v30;
	[tilespmem:v16+s22+$0x0] =	vst.idx.msk $0xffff, v33;
	v16 =	vmovc v18;
	v43 =	vmov v21;
	v44 =	vmov v24  }
0xc8: {  	v33 =	vmul.f32 $8.000000000e+00, v22;
	p1 =	slt.u32 s6, $0x1F8;
	[tilespmem:v39+s22+$0x0] =	vst.idx.msk $0xffff, v41;
	v41 =	vor.u32 v13, v19;
	v19 =	vand.u32 $0x1F80, v35  }
0xc9: {  	v22 =	vld.idx.msk [tilespmem:v37+s18+$0x0], $0xffff;
	v45 =	vor.u32 v9, v19;
	v18 =	vor.u32 v11, v19;
	v21 =	vor.u32 v15, v19  }
0xca: {  	v37 =	vmul.f32 $8.000000000e+00, v31;
	v31 =	vmul.f32 $8.000000000e+00, v28;
	v46 =	vld.idx.msk [tilespmem:v40+s18+$0x0], $0xffff;
	[tilespmem:v20+s22+$0x0] =	vst.idx.msk $0xffff, v30;
	v20 =	vor.u32 v3, v19  }
0xcb: {  	s3 =	sadd.s32 $0x1, s3;
	v24 =	vor.u32 v7, v19;
	v34 =	vmul.f32 $8.000000000e+00, v34;
	v30 =	vld.idx.msk [tilespmem:v32+s18+$0x0], $0xffff;
	[tilespmem:v23+s22+$0x0] =	vst.idx.msk $0xffff, v33;
	v33 =	vmul.f32 $8.000000000e+00, v29  }
.Ltmp7:
0xcc: {  	v29 =	vadd.s32 s3, v0;
	v23 =	vor.u32 v0, v19;
	v36 =	vmul.f32 $8.000000000e+00, v36;
	v28 =	vld.idx.msk [tilespmem:v38+s18+$0x0], $0xffff;
	[tilespmem:v43+s22+$0x0] =	vst.idx.msk $0xffff, v31;
	(pc) =	sbr.rel @p1 .LBB2_11-.Ltmp7, $4  }
0xcd: {  	v39 =	vor.u32 v5, v19;
	v38 =	vand.u32 $0x3F, v29;
	v35 =	vshll.u32 v29, $0x7;
	v31 =	vld.idx.msk [tilespmem:v27+s18+$0x0], $0xffff;
	[tilespmem:v44+s22+$0x0] =	vst.idx.msk $0xffff, v37  }
0xce: {  	v37 =	vor.u32 v1, v38;
	v32 =	vor.u32 v2, v38;
	v29 =	vld.idx.msk [tilespmem:v25+s18+$0x0], $0xffff;
	[tilespmem:v41+s22+$0x0] =	vst.idx.msk $0xffff, v34  }
0xcf: {  	v40 =	vor.u32 v4, v38;
	v27 =	vor.u32 v6, v38;
	v34 =	vld.idx.msk [tilespmem:v26+s18+$0x0], $0xffff;
	[tilespmem:v17+s22+$0x0] =	vst.idx.msk $0xffff, v36  }
0xd0: {  	v25 =	vor.u32 v10, v38;
	v26 =	vor.u32 v12, v38;
	v41 =	vmul.f32 $8.000000000e+00, v46;
	v17 =	vmovc v45;
	v36 =	vld.idx.msk [tilespmem:v42+s18+$0x0], $0xffff  }
0xd1: {  	_ =	sdelay $0x2  }
0xd2: {  	v30 =	vmul.f32 $8.000000000e+00, v30  }
0xd3: {  	v42 =	vor.u32 v14, v38;
	[tilespmem:v16+s22+$0x0] =	vst.idx.msk $0xffff, v33;
	v16 =	vmul.f32 $8.000000000e+00, v22;
	v19 =	vor.u32 v13, v19  }
0xd4: {  	v22 =	vld.idx.msk [tilespmem:v40+s18+$0x0], $0xffff;
	v31 =	vmul.f32 $8.000000000e+00, v31;
	[tilespmem:v20+s22+$0x0] =	vst.idx.msk $0xffff, v30  }
0xd5: {  	v32 =	vld.idx.msk [tilespmem:v32+s18+$0x0], $0xffff;
	v20 =	vmul.f32 $8.000000000e+00, v28;
	[tilespmem:v23+s22+$0x0] =	vst.idx.msk $0xffff, v16  }
0xd6: {  	v27 =	vld.idx.msk [tilespmem:v27+s18+$0x0], $0xffff;
	v28 =	vor.u32 v8, v38;
	v30 =	vand.u32 $0x1F80, v35;
	v23 =	vmul.f32 $8.000000000e+00, v34;
	[tilespmem:v24+s22+$0x0] =	vst.idx.msk $0xffff, v31  }
0xd7: {  	v16 =	vld.idx.msk [tilespmem:v37+s18+$0x0], $0xffff;
	v24 =	vmul.f32 $8.000000000e+00, v29;
	[tilespmem:v21+s22+$0x0] =	vst.idx.msk $0xffff, v20;
	v20 =	vor.u32 v5, v30  }
0xd8: {  	v21 =	vor.u32 v3, v30;
	v50 =	vmul.f32 $8.000000000e+00, v36;
	v49 =	vld.idx.msk [tilespmem:v42+s18+$0x0], $0xffff;
	[tilespmem:v19+s22+$0x0] =	vst.idx.msk $0xffff, v23  }
0xd9: {  	v29 =	vor.u32 v0, v30;
	v23 =	vld.idx.msk [tilespmem:v26+s18+$0x0], $0xffff;
	[tilespmem:v18+s22+$0x0] =	vst.idx.msk $0xffff, v24  }
0xda: {  	v18 =	vld.idx.msk [tilespmem:v25+s18+$0x0], $0xffff;
	[tilespmem:v17+s22+$0x0] =	vst.idx.msk $0xffff, v50;
	v17 =	vmul.f32 $8.000000000e+00, v22;
	v22 =	vor.u32 v7, v30  }
0xdb: {  	[tilespmem:v39+s22+$0x0] =	vst.idx.msk $0xffff, v41;
	v19 =	vor.u32 v15, v30;
	v26 =	vld.idx.msk [tilespmem:v28+s18+$0x0], $0xffff;
	v28 =	vmul.f32 $8.000000000e+00, v32  }
0xdc: {  	v24 =	vor.u32 v11, v30;
	v16 =	vmul.f32 $8.000000000e+00, v16;
	[tilespmem:v20+s22+$0x0] =	vst.idx.msk $0xffff, v17  }
0xdd: {  	v25 =	vmul.f32 $8.000000000e+00, v27;
	v17 =	vor.u32 v13, v30;
	[tilespmem:v21+s22+$0x0] =	vst.idx.msk $0xffff, v28  }
0xde: {  	v20 =	vor.u32 v9, v30;
	[tilespmem:v29+s22+$0x0] =	vst.idx.msk $0xffff, v16;
	v21 =	vmul.f32 $8.000000000e+00, v49  }
0xdf: {  	v18 =	vmul.f32 $8.000000000e+00, v18;
	[tilespmem:v22+s22+$0x0] =	vst.idx.msk $0xffff, v25  }
0xe0: {  	v16 =	vmul.f32 $8.000000000e+00, v23;
	[tilespmem:v19+s22+$0x0] =	vst.idx.msk $0xffff, v21  }
0xe1: {  	v19 =	vmul.f32 $8.000000000e+00, v26;
	[tilespmem:v24+s22+$0x0] =	vst.idx.msk $0xffff, v18  }
0xe2: {  	[tilespmem:v17+s22+$0x0] =	vst.idx.msk $0xffff, v16  }
0xe3: {  	s3 =	sadd.s32 @!p0 $0x300, s17;
	s6 =	simm.s32 @!p0 $0x80;
	[tilespmem:v20+s22+$0x0] =	vst.idx.msk $0xffff, v19  }
0xe4: {  	[hbm4b:s19+s11] =	stream.strided.scatter [tilespmem:s22], [sflag:$0x5], $0x2000, s12, s11, $0x38;
	[tilespmem:$0x12400] =	vst v63  }
0xe5: {  	s10 =	simm.s32 @!p0 $0xA400;
	s3 =	sand.u32 @!p0 $0xFF00, s3;
	s19 =	simm.s32 $0x0  }
0xe6: {  	v16 =	vadd.s32 s19, v0;
	[tilespmem:s10], [sflag:$0x3] =	stream.indirect.gather @!p0 [hbm4b:s5+s6], $0x40, s3, s6, $0xb8;
	[tilespmem:$0x12400] =	vst v63  }
0xe7: {  	v17 =	vand.u32 $0x3F, v16;
	_ =	swait.ge [sflag:s29], $0x2000  }
0xe8: {  	v18 =	vor.u32 v1, v17;
	[sflag:s29] =	ssyncset.done $0x0  }
0xe9: {  	v19 =	vor.u32 v4, v17;
	[sflag:s29] =	ssyncadd.s32 $0xFFFFE000  }
0xea: {  	v20 =	vor.u32 v2, v17;
	_ =	swait.ge [sflag:s24], $0x2000  }
0xeb: {  	v21 =	vor.u32 v14, v17;
	[sflag:s24] =	ssyncset.done $0x0  }
0xec: {  	v22 =	vor.u32 v6, v17;
	[sflag:s24] =	ssyncadd.s32 $0xFFFFE000  }
0xed: {  	v23 =	vor.u32 v10, v17;
	v18 =	vld.idx.msk [tilespmem:v18+s20+$0x0], $0xffff  }
0xee: {  	v16 =	vshll.u32 v16, $0x7;
	v24 =	vor.u32 v12, v17;
	v19 =	vld.idx.msk [tilespmem:v19+s20+$0x0], $0xffff  }
0xef: {  	s19 =	simm.s32 $0x1;
	v25 =	vand.u32 $0x1F80, v16;
	v20 =	vld.idx.msk [tilespmem:v20+s20+$0x0], $0xffff  }
0xf0: {  	v29 =	vadd.s32 s19, v0;
	v17 =	vor.u32 v8, v17;
	v26 =	vor.u32 v9, v25;
	v30 =	vld.idx.msk [tilespmem:v21+s20+$0x0], $0xffff  }
0xf1: {  	v16 =	vor.u32 v11, v25;
	v27 =	vor.u32 v15, v25;
	v28 =	vor.u32 v3, v25;
	v53 =	vld.idx.msk [tilespmem:v22+s20+$0x0], $0xffff  }
0xf2: {  	v51 =	vor.u32 v7, v25;
	v31 =	vor.u32 v5, v25;
	v52 =	vor.u32 v0, v25;
	v23 =	vld.idx.msk [tilespmem:v23+s20+$0x0], $0xffff  }
0xf3: {  	v25 =	vor.u32 v13, v25;
	v21 =	vand.u32 $0x3F, v29;
	v29 =	vshll.u32 v29, $0x7;
	v57 =	vld.idx.msk [tilespmem:v24+s20+$0x0], $0xffff  }
0xf4: {  	v22 =	vor.u32 v1, v21;
	v54 =	vor.u32 v2, v21;
	v55 =	vor.u32 v4, v21  }
0xf5: {  	v56 =	vor.u32 v6, v21;
	v58 =	vor.u32 v10, v21;
	v59 =	vor.u32 v12, v21  }
0xf6: {  	v60 =	vld.idx.msk [tilespmem:v17+s20+$0x0], $0xffff;
	v43 =	vor.u32 v14, v21;
	v24 =	vmul.f32 $8.000000000e+00, v19;
	v44 =	vmul.f32 $8.000000000e+00, v20  }
0xf7: {  	v19 =	vand.u32 $0x1F80, v29;
	v29 =	vmul.f32 $8.000000000e+00, v18;
	v34 =	vmul.f32 $8.000000000e+00, v53  }
0xf8: {  	v61 =	vor.u32 v8, v21;
	v33 =	vmul.f32 $8.000000000e+00, v23;
	v62 =	vmul.f32 $8.000000000e+00, v57;
	[tilespmem:v31+s25+$0x0] =	vst.idx.msk $0xffff, v24  }
0xf9: {  	v22 =	vld.idx.msk [tilespmem:v22+s20+$0x0], $0xffff;
	v17 =	vor.u32 v9, v19;
	v18 =	vor.u32 v11, v19;
	[tilespmem:v28+s25+$0x0] =	vst.idx.msk $0xffff, v44  }
0xfa: {  	v21 =	vor.u32 v15, v19;
	v20 =	vor.u32 v3, v19;
	v36 =	vld.idx.msk [tilespmem:v55+s20+$0x0], $0xffff;
	[tilespmem:v52+s25+$0x0] =	vst.idx.msk $0xffff, v29  }
0xfb: {  	s3 =	simm.s32 $0x2;
	v63 =	vmul.f32 $8.000000000e+00, v60;
	v23 =	vor.u32 v0, v19;
	v31 =	vmul.f32 $8.000000000e+00, v30;
	v30 =	vld.idx.msk [tilespmem:v54+s20+$0x0], $0xffff;
	[tilespmem:v51+s25+$0x0] =	vst.idx.msk $0xffff, v34  }
0xfc: {  	v39 =	vor.u32 v5, v19;
	v29 =	vadd.s32 s3, v0;
	v28 =	vld.idx.msk [tilespmem:v43+s20+$0x0], $0xffff;
	[tilespmem:v25+s25+$0x0] =	vst.idx.msk $0xffff, v62  }
0xfd: {  	v24 =	vor.u32 v7, v19;
	v34 =	vld.idx.msk [tilespmem:v59+s20+$0x0], $0xffff;
	[tilespmem:v26+s25+$0x0] =	vst.idx.msk $0xffff, v63;
	v38 =	vand.u32 $0x3F, v29  }
0xfe: {  	v35 =	vshll.u32 v29, $0x7;
	v29 =	vld.idx.msk [tilespmem:v58+s20+$0x0], $0xffff;
	[tilespmem:v27+s25+$0x0] =	vst.idx.msk $0xffff, v31;
	v37 =	vor.u32 v1, v38  }
0xff: {  	v31 =	vld.idx.msk [tilespmem:v56+s20+$0x0], $0xffff;
	v32 =	vor.u32 v2, v38;
	v40 =	vor.u32 v4, v38;
	v27 =	vor.u32 v6, v38  }
0x100: {  	s2 =	sadd.s32 s2, s9;
	s6 =	simm.s32 $0x10;
	v25 =	vor.u32 v10, v38;
	v26 =	vor.u32 v12, v38;
	v41 =	vmul.f32 $8.000000000e+00, v36;
	v36 =	vld.idx.msk [tilespmem:v61+s20+$0x0], $0xffff  }
.LBB2_13:
0x101: {  	v42 =	vor.u32 v8, v38;
	v38 =	vor.u32 v14, v38  }
0x102: {  	s6 =	sadd.s32 $0x8, s6;
	v30 =	vmul.f32 $8.000000000e+00, v30;
	[tilespmem:v16+s25+$0x0] =	vst.idx.msk $0xffff, v33;
	v16 =	vmovc v18;
	v43 =	vmov v21;
	v44 =	vmov v24  }
0x103: {  	v33 =	vmul.f32 $8.000000000e+00, v22;
	p1 =	slt.u32 s6, $0x1F8;
	[tilespmem:v39+s25+$0x0] =	vst.idx.msk $0xffff, v41;
	v41 =	vor.u32 v13, v19;
	v19 =	vand.u32 $0x1F80, v35  }
0x104: {  	v22 =	vld.idx.msk [tilespmem:v37+s20+$0x0], $0xffff;
	v45 =	vor.u32 v9, v19;
	v18 =	vor.u32 v11, v19;
	v21 =	vor.u32 v15, v19  }
0x105: {  	v37 =	vmul.f32 $8.000000000e+00, v31;
	v31 =	vmul.f32 $8.000000000e+00, v28;
	v46 =	vld.idx.msk [tilespmem:v40+s20+$0x0], $0xffff;
	[tilespmem:v20+s25+$0x0] =	vst.idx.msk $0xffff, v30;
	v20 =	vor.u32 v3, v19  }
0x106: {  	s3 =	sadd.s32 $0x1, s3;
	v24 =	vor.u32 v7, v19;
	v34 =	vmul.f32 $8.000000000e+00, v34;
	v30 =	vld.idx.msk [tilespmem:v32+s20+$0x0], $0xffff;
	[tilespmem:v23+s25+$0x0] =	vst.idx.msk $0xffff, v33;
	v33 =	vmul.f32 $8.000000000e+00, v29  }
.Ltmp8:
0x107: {  	v29 =	vadd.s32 s3, v0;
	v23 =	vor.u32 v0, v19;
	v36 =	vmul.f32 $8.000000000e+00, v36;
	v28 =	vld.idx.msk [tilespmem:v38+s20+$0x0], $0xffff;
	[tilespmem:v43+s25+$0x0] =	vst.idx.msk $0xffff, v31;
	(pc) =	sbr.rel @p1 .LBB2_13-.Ltmp8, $4  }
0x108: {  	v39 =	vor.u32 v5, v19;
	v38 =	vand.u32 $0x3F, v29;
	v35 =	vshll.u32 v29, $0x7;
	v31 =	vld.idx.msk [tilespmem:v27+s20+$0x0], $0xffff;
	[tilespmem:v44+s25+$0x0] =	vst.idx.msk $0xffff, v37  }
0x109: {  	v37 =	vor.u32 v1, v38;
	v32 =	vor.u32 v2, v38;
	v29 =	vld.idx.msk [tilespmem:v25+s20+$0x0], $0xffff;
	[tilespmem:v41+s25+$0x0] =	vst.idx.msk $0xffff, v34  }
0x10a: {  	v40 =	vor.u32 v4, v38;
	v27 =	vor.u32 v6, v38;
	v34 =	vld.idx.msk [tilespmem:v26+s20+$0x0], $0xffff;
	[tilespmem:v17+s25+$0x0] =	vst.idx.msk $0xffff, v36  }
0x10b: {  	v25 =	vor.u32 v10, v38;
	v26 =	vor.u32 v12, v38;
	v41 =	vmul.f32 $8.000000000e+00, v46;
	v17 =	vmovc v45;
	v36 =	vld.idx.msk [tilespmem:v42+s20+$0x0], $0xffff  }
0x10c: {  	_ =	sdelay $0x3  }
0x10d: {  	v30 =	vmul.f32 $8.000000000e+00, v30;
	[tilespmem:v16+s25+$0x0] =	vst.idx.msk $0xffff, v33  }
0x10e: {  	v42 =	vor.u32 v14, v38;
	v16 =	vmul.f32 $8.000000000e+00, v22;
	[tilespmem:v39+s25+$0x0] =	vst.idx.msk $0xffff, v41  }
0x10f: {  	v19 =	vor.u32 v13, v19;
	v43 =	vmul.f32 $8.000000000e+00, v28;
	v32 =	vld.idx.msk [tilespmem:v32+s20+$0x0], $0xffff;
	[tilespmem:v20+s25+$0x0] =	vst.idx.msk $0xffff, v30  }
0x110: {  	v44 =	vor.u32 v8, v38;
	v45 =	vand.u32 $0x1F80, v35;
	v27 =	vld.idx.msk [tilespmem:v27+s20+$0x0], $0xffff;
	v31 =	vmul.f32 $8.000000000e+00, v31;
	[tilespmem:v23+s25+$0x0] =	vst.idx.msk $0xffff, v16  }
0x111: {  	v41 =	vld.idx.msk [tilespmem:v40+s20+$0x0], $0xffff;
	v48 =	vor.u32 v3, v45;
	[tilespmem:v21+s25+$0x0] =	vst.idx.msk $0xffff, v43;
	v51 =	vmul.f32 $8.000000000e+00, v29  }
0x112: {  	v58 =	vld.idx.msk [tilespmem:v25+s20+$0x0], $0xffff;
	v55 =	vor.u32 v7, v45;
	v46 =	vmul.f32 $8.000000000e+00, v34;
	[tilespmem:v24+s25+$0x0] =	vst.idx.msk $0xffff, v31  }
0x113: {  	v47 =	vor.u32 v5, v45;
	v16 =	vld.idx.msk [tilespmem:v37+s20+$0x0], $0xffff;
	v50 =	vmul.f32 $8.000000000e+00, v36;
	[tilespmem:v18+s25+$0x0] =	vst.idx.msk $0xffff, v51  }
0x114: {  	v61 =	vor.u32 v11, v45;
	v49 =	vld.idx.msk [tilespmem:v42+s20+$0x0], $0xffff;
	[tilespmem:v19+s25+$0x0] =	vst.idx.msk $0xffff, v46;
	v57 =	vmul.f32 $8.000000000e+00, v32  }
0x115: {  	v52 =	vor.u32 v0, v45;
	v56 =	vld.idx.msk [tilespmem:v44+s20+$0x0], $0xffff;
	v62 =	vmul.f32 $8.000000000e+00, v27;
	[tilespmem:v17+s25+$0x0] =	vst.idx.msk $0xffff, v50  }
0x116: {  	v54 =	vld.idx.msk [tilespmem:v26+s20+$0x0], $0xffff;
	v53 =	vor.u32 v15, v45;
	v17 =	vmul.f32 $8.000000000e+00, v41;
	[tilespmem:v48+s25+$0x0] =	vst.idx.msk $0xffff, v57  }
0x117: {  	v59 =	vor.u32 v9, v45;
	v18 =	vmul.f32 $8.000000000e+00, v58;
	[tilespmem:v55+s25+$0x0] =	vst.idx.msk $0xffff, v62  }
0x118: {  	v16 =	vmul.f32 $8.000000000e+00, v16;
	[tilespmem:v47+s25+$0x0] =	vst.idx.msk $0xffff, v17;
	v17 =	vor.u32 v13, v45  }
0x119: {  	[tilespmem:v61+s25+$0x0] =	vst.idx.msk $0xffff, v18;
	v60 =	vmul.f32 $8.000000000e+00, v49  }
.Ltmp9:
0x11a: {  	[tilespmem:v52+s25+$0x0] =	vst.idx.msk $0xffff, v16;
	v63 =	vmul.f32 $8.000000000e+00, v56;
	(pc) =	sbr.rel @p0 .LBB2_16-.Ltmp9, $4  }
0x11b: {  	v16 =	vmul.f32 $8.000000000e+00, v54;
	[tilespmem:v53+s25+$0x0] =	vst.idx.msk $0xffff, v60  }
0x11c: {  	[tilespmem:v59+s25+$0x0] =	vst.idx.msk $0xffff, v63  }
0x11d: {  	[tilespmem:v17+s25+$0x0] =	vst.idx.msk $0xffff, v16  }
0x11e: {  	[hbm4b:s2+s11] =	stream.strided.scatter [tilespmem:s25], [sflag:$0x6], $0x2000, s12, s11, $0x38;
	[tilespmem:$0x12400] =	vst v63  }
.Ltmp10:
0x11f: {  	(pc) =	sbr.rel .LBB2_2-.Ltmp10, $4  }
0x120: {  	s0 =	sshll.u32 s0, $0x7  }
0x121: {  	s0 =	sadd.s32 $0x380, s0  }
0x122: {  	s31 =	sadd.s32 $0x1, s31;
	s0 =	sand.u32 $0xFF80, s0  }
0x123: {  	[tilespmem:s20], [sflag:$0x4] =	stream.indirect.gather [hbm4b:s5+s14], $0x40, s0, s14, $0xb8;
	[tilespmem:$0x12400] =	vst v63  }
.LBB2_17:
0x124: {  	_ =	sfence.sel $0x180000  }
0x125: {  	[bflag:$0x0] =	sbarrier.arrive $0xFFFF  }
0x126: {  	_ =	strace $0x90000047  }
0x127: {  	s0 =	stileid.u32;
	[bflag:$0x2] =	sbarrier.arrive $0xFFFF  }
0x128: {  	p0 =	sne.s32 s0, $0x0;
	s0 =	rddreg [dreg:$0x3]  }
0x129: {  	s0 =	sadd.s32 @!p0 $0x100000, s0  }
0x12a: {  	[sflag:s0] =	ssyncadd.tile.s32 @!p0 $0x1;
	_ =	shalt  }
.Lfunc_end2:
_tile_overlayer_lowered:
.L_overlay_start_2:
0x12b: {  	(tag) =	ssettag $0x2  }
0x12c: {  	s0 =	rddreg [dreg:$0x0];
	s2 =	stileid.u32  }
0x12d: {  	s1 =	rddreg [dreg:$0x1];
	p0 =	sne.s32 s2, $0x0  }
0x12e: {  	s3 =	rddreg [dreg:$0x2];
	[bflag:$0x3] =	sbarrier.arrive $0xFFFF;
	s2 =	simm.s32 @!p0 $0x1C07  }
0x12f: {  	[timem:s3], [sflag:s2] =	dma.local @!p0 [hbm:s0], s1  }
0x130: {  	s0 =	simm.s32 @!p0 $0x7  }
0x131: {  	_ =	swait.ge @!p0 [sflag:s0], s1  }
0x132: {  	s1 =	ssub.s32 @!p0 $0x0, s1;
	[sflag:s0] =	ssyncset.done @!p0 $0x0  }
0x133: {  	[sflag:s0] =	ssyncadd.s32 @!p0 s1  }
0x134: {  	[bflag:$0x3] =	sbarrier.arrive $0xFFFF  }
0x135: {  	_ =	shalt  }

</sc_bundles>
